<compile_context>
chip_gen: v7x
topology: tpu7x:2x2x1
jax: 0.10.2.dev20260603
libtpu: 0.0.44.dev20260713+nightly
codegen_flags: <defaults>
</compile_context>

<pallas_src>
import functools

import jax
import jax.numpy as jnp
import numpy as np
from jax import lax
from jax.experimental import pallas as pl
from jax.experimental.pallas import tpu as pltpu
from jax.experimental.pallas import tpu_sc as plsc

NC = 2
NS = 16
NW = NC * NS
CH = 128


def _sc_mesh():
  return plsc.VectorSubcoreMesh(core_axis_name="c", subcore_axis_name="s")


def _make_hist(n_pad, cw):
  rows = n_pad // NS

  @functools.partial(
      pl.kernel,
      out_type=jax.ShapeDtypeStruct((NC, n_pad), jnp.float32),
      mesh=_sc_mesh(),
      scratch_types=[
          pltpu.VMEM((cw, CH), jnp.int32),
          pltpu.VMEM((CH,), jnp.float32),
          pltpu.VMEM((rows,), jnp.float32),
          pltpu.SemaphoreType.DMA,
          pltpu.VMEM_SHARED((n_pad,), jnp.float32),
      ],
  )
  def hist(col_hbm, d_hbm, idx_v, ones_v, zer_v, sem, hist_sh):
    cid = lax.axis_index("c")
    sid = lax.axis_index("s")
    wbase = (cid * NS + sid) * cw
    pltpu.sync_copy(col_hbm.at[pl.ds(wbase, cw)], idx_v)
    for i in range(CH // 16):
      ones_v[pl.ds(i * 16, 16)] = jnp.ones((16,), jnp.float32)

    def zfill(i, carry):
      zer_v[pl.ds(i * 16, 16)] = jnp.zeros((16,), jnp.float32)
      return carry

    lax.fori_loop(0, rows // 16, zfill, 0)
    pltpu.sync_copy(zer_v, hist_sh.at[pl.ds(sid * rows, rows)])
    plsc.subcore_barrier()

    def body(j, carry):
      pltpu.async_copy(ones_v, hist_sh.at[idx_v.at[j]], sem, add=True)
      return carry

    lax.fori_loop(0, cw, body, 0)

    def drain(j, carry):
      pltpu.make_async_copy(ones_v, hist_sh.at[idx_v.at[j]], sem).wait()
      return carry

    lax.fori_loop(0, cw, drain, 0)

    plsc.subcore_barrier()
    pltpu.sync_copy(hist_sh.at[pl.ds(sid * rows, rows)],
                    d_hbm.at[cid, pl.ds(sid * rows, rows)])

  return hist


def _make_scatter(n_pad, cw, f):
  rows = n_pad // NS

  @functools.partial(
      pl.kernel,
      out_type=jax.ShapeDtypeStruct((NC, n_pad, f), jnp.float32),
      mesh=_sc_mesh(),
      scratch_types=[
          pltpu.VMEM((cw // 2, CH), jnp.int32),
          pltpu.VMEM((cw // 2, CH), jnp.int32),
          pltpu.SemaphoreType.DMA,
          pltpu.SemaphoreType.DMA,
          pltpu.VMEM_SHARED((n_pad, f), jnp.float32),
      ],
  )
  def scatter(xp_hbm, row_hbm, col_hbm, y_hbm,
              rowv, colv, sem0, sem1, y_sh):
    cid = lax.axis_index("c")
    sid = lax.axis_index("s")

    def run(buf0, buf1):
      scatter_body(xp_hbm, row_hbm, col_hbm, y_hbm,
                   rowv, colv, buf0, buf1, sem0, sem1, y_sh,
                   cid, sid, cw, rows, f)

    pl.run_scoped(
        run,
        pltpu.VMEM((CH, f), jnp.float32),
        pltpu.VMEM((CH, f), jnp.float32),
    )

  return scatter


def scatter_body(xp_hbm, row_hbm, col_hbm, y_hbm,
                 rowv, colv, buf0, buf1, sem0, sem1, y_sh,
                 cid, sid, cw, rows, f):
    zr = 64

    def zfill(r, carry):
      for i in range(f // 16):
        buf0[r, pl.ds(i * 16, 16)] = jnp.zeros((16,), jnp.float32)
      return carry

    lax.fori_loop(0, zr, zfill, 0)

    def zcopy(r, carry):
      pltpu.sync_copy(buf0.at[pl.ds(0, zr)],
                      y_sh.at[pl.ds(sid * rows + r * zr, zr)])
      return carry

    lax.fori_loop(0, rows // zr, zcopy, 0)
    plsc.subcore_barrier()

    npair = cw // 4

    wbase = (cid * NS + sid) * cw
    for ph in range(2):
      pltpu.sync_copy(row_hbm.at[pl.ds(wbase + ph * (cw // 2), cw // 2)], rowv)
      pltpu.sync_copy(col_hbm.at[pl.ds(wbase + ph * (cw // 2), cw // 2)], colv)
      pltpu.async_copy(xp_hbm.at[rowv.at[0]], buf0, sem0)
      pltpu.async_copy(xp_hbm.at[rowv.at[1]], buf1, sem1)

      def body(g, carry):
        j0 = 2 * g

        pltpu.make_async_copy(xp_hbm.at[rowv.at[j0]], buf0, sem0).wait()
        pltpu.sync_copy(buf0, y_sh.at[colv.at[j0]], add=True)

        @pl.when(g + 1 < npair)
        def _():
          pltpu.async_copy(xp_hbm.at[rowv.at[j0 + 2]], buf0, sem0)

        pltpu.make_async_copy(xp_hbm.at[rowv.at[j0 + 1]], buf1, sem1).wait()
        pltpu.sync_copy(buf1, y_sh.at[colv.at[j0 + 1]], add=True)

        @pl.when(g + 1 < npair)
        def _():
          pltpu.async_copy(xp_hbm.at[rowv.at[j0 + 3]], buf1, sem1)

        return carry

      lax.fori_loop(0, npair, body, 0)

    plsc.subcore_barrier()
    pltpu.sync_copy(y_sh.at[pl.ds(sid * rows, rows)],
                    y_hbm.at[cid, pl.ds(sid * rows, rows)])


def _prep_body(d_ref, x_ref, rs_ref, xp_ref):
  d = d_ref[0, :] + d_ref[1, :]
  rs = jnp.where(d > 0.0, lax.rsqrt(d), 0.0)
  rs2 = rs[:, None]
  rs_ref[...] = rs2
  xp_ref[...] = rs2 * x_ref[...]


def _xw_body(x_ref, e_ref, w_ref, o_ref, *, f, k):
  x = x_ref[...]
  w = w_ref[...]
  e = e_ref[...]
  acc = x
  for i in range(k):
    hk = jnp.dot(x, w[i, f:, :], preferred_element_type=jnp.float32)
    acc = acc + e[:, i:i + 1] * hk
  o_ref[...] = acc


def _final_body(xw_ref, yp_ref, rs_ref, e_ref, w_ref, o_ref, *, f, k):
  y = rs_ref[...] * (yp_ref[0] + yp_ref[1])
  w = w_ref[...]
  e = e_ref[...]
  acc = xw_ref[...]
  for i in range(k):
    hk = jnp.dot(y, w[i, :f, :], preferred_element_type=jnp.float32)
    acc = acc + e[:, i:i + 1] * hk
  o_ref[...] = acc


@jax.jit
def kernel(x, adj, e, W):
  n, f = x.shape
  k = W.shape[0]
  eN = adj.shape[1]

  n_pad = ((n + 1024) // 1024) * 1024
  blk = 2048 if n_pad % 2048 == 0 else 1024
  e_chunk = NW * CH
  cw = (eN + e_chunk - 1) // e_chunk
  cw = ((cw + 3) // 4) * 4
  e_pad = cw * e_chunk

  pad_idx = jnp.asarray(n + np.arange(e_pad - eN) % (n_pad - n), dtype=jnp.int32)
  row = jnp.concatenate([adj[0], pad_idx]).reshape(e_pad // CH, CH)
  col = jnp.concatenate([adj[1], pad_idx]).reshape(e_pad // CH, CH)
  d_part = _make_hist(n_pad, cw)(col)

  rs, xp = pl.pallas_call(
      _prep_body,
      grid=(n_pad // blk,),
      in_specs=[
          pl.BlockSpec((NC, blk), lambda i: (0, i)),
          pl.BlockSpec((blk, f), lambda i: (i, 0)),
      ],
      out_specs=[
          pl.BlockSpec((blk, 1), lambda i: (i, 0)),
          pl.BlockSpec((blk, f), lambda i: (i, 0)),
      ],
      out_shape=[
          jax.ShapeDtypeStruct((n_pad, 1), jnp.float32),
          jax.ShapeDtypeStruct((n_pad, f), jnp.float32),
      ],
  )(d_part, x)

  y_part = _make_scatter(n_pad, cw, f)(xp, row, col)

  xw = pl.pallas_call(
      functools.partial(_xw_body, f=f, k=k),
      grid=(n_pad // blk,),
      in_specs=[
          pl.BlockSpec((blk, f), lambda i: (i, 0)),
          pl.BlockSpec((blk, k), lambda i: (i, 0)),
          pl.BlockSpec((k, 2 * f, f), lambda i: (0, 0, 0)),
      ],
      out_specs=pl.BlockSpec((blk, f), lambda i: (i, 0)),
      out_shape=jax.ShapeDtypeStruct((n_pad, f), jnp.float32),
  )(x, e, W)

  out = pl.pallas_call(
      functools.partial(_final_body, f=f, k=k),
      grid=(n_pad // blk,),
      in_specs=[
          pl.BlockSpec((blk, f), lambda i: (i, 0)),
          pl.BlockSpec((NC, blk, f), lambda i: (0, i, 0)),
          pl.BlockSpec((blk, 1), lambda i: (i, 0)),
          pl.BlockSpec((blk, k), lambda i: (i, 0)),
          pl.BlockSpec((k, 2 * f, f), lambda i: (0, 0, 0)),
      ],
      out_specs=pl.BlockSpec((blk, f), lambda i: (i, 0)),
      out_shape=jax.ShapeDtypeStruct((n, f), jnp.float32),
  )(xw, y_part, rs, e, W)

  return out

# --- scband reference (transcript-rebuilt; emitter-appended) ---
"""Pipeline reference for scband-ca-net-conv-12970801234187 (READ-ONLY COPY).

The authoritative reference and input builder live on the scoring server;
editing this copy changes nothing except your own understanding.
"""

import jax, jax.numpy as jnp
import numpy as np

N = 10000
E = 320000
F_IN = 128
F_OUT = 128
K = 4


def setup_inputs(seed: int = 0) -> dict:
    key = jax.random.key(seed)
    k1, k2, k3, k4 = jax.random.split(key, 4)
    x = jax.random.normal(k1, (N, F_IN), dtype=jnp.float32)
    adj = jax.random.randint(k2, (2, E), 0, N, dtype=jnp.int32)
    e = jax.random.uniform(k3, (N, K), dtype=jnp.float32)
    stdv = 1.0 / np.sqrt(F_OUT)
    W = jax.random.uniform(k4, (K, 2 * F_IN, F_OUT), minval=-stdv, maxval=stdv, dtype=jnp.float32)
    return {"x": x, "adj": adj, "e": e, "W": W}


def gcn_conv(x, edge_index):
    n = x.shape[0]
    row = edge_index[0]
    col = edge_index[1]
    # degree of col (in-degree of destination nodes)
    d = jnp.zeros((n,), dtype=jnp.float32).at[col].add(1.0)
    d_norm_in = jnp.sqrt(1.0 / d[col])
    d_norm_out = jnp.sqrt(1.0 / d[row])
    value = d_norm_in * d_norm_out
    value = jnp.nan_to_num(value, nan=0.0, posinf=0.0, neginf=0.0)
    # SparseTensor(row=col, col=row, value) @ x  ==  out[col] += value * x[row]
    msgs = value[:, None] * jnp.take(x, row, axis=0)
    return jnp.zeros_like(x).at[col].add(msgs)


def reference(x, adj, e, W):
    hi = gcn_conv(x, adj)
    hi = jnp.concatenate([hi, x], axis=1)  # [N, 2*F_IN]
    # hi.unsqueeze(0).repeat(K,1,1) @ W[k]  then transpose -> [N, K, F_OUT]
    outputs = jnp.einsum('nf,kfo->nko', hi, W)
    # es = e[:, :, None] broadcast over out_features; sum over K
    output = jnp.sum(e[:, :, None] * outputs, axis=1)
    # residual
    output = output + x
    return output

if __name__ == "__main__":
    import jax
    _d = setup_inputs()
    print(jax.jit(kernel)(*tuple(_d.values())))

</pallas_src>

<mosaic_0001>
#map = affine_map<(d0, d1) -> (0, 0)>
#map1 = affine_map<(d0, d1) -> (0, 0, 0)>
module attributes {stable_mosaic.version = 14 : i64} {
  func.func @scatter(%arg0: i32, %arg1: i32, %arg2: memref<10240x128xf32, #tpu.memory_space<hbm>>, %arg3: memref<2560x128xi32, #tpu.memory_space<hbm>>, %arg4: memref<2560x128xi32, #tpu.memory_space<hbm>>, %arg5: memref<2x10240x128xf32, #tpu.memory_space<hbm>>, %arg6: memref<40x128xi32, #tpu.memory_space<vmem>>, %arg7: memref<40x128xi32, #tpu.memory_space<vmem>>, %arg8: memref<!tpu.dma_semaphore, #tpu.memory_space<semaphore_mem>>, %arg9: memref<!tpu.dma_semaphore, #tpu.memory_space<semaphore_mem>>, %arg10: memref<10240x128xf32, #tpu.memory_space<vmem_shared>>) attributes {dimension_semantics = [#tpu.dimension_semantics<core_parallel>, #tpu.dimension_semantics<subcore_parallel>], iteration_bounds = array<i64: 2, 16>, scalar_prefetch = 0 : i64, scratch_operands = 5 : i64, tpu.core_type = #tpu.core_type<sc_vector_subcore>, window_params = [{transform_indices = #map}, {transform_indices = #map}, {transform_indices = #map}, {transform_indices = #map1}]} {
    "tpu.region"() ({
      %run_scoped3A = memref.alloca() : memref<128x128xf32, #tpu.memory_space<vmem>>
      %run_scoped3A_0 = memref.alloca() : memref<128x128xf32, #tpu.memory_space<vmem>>
      %scan3A = arith.constant 0 : i32
      %scan3A_1 = arith.constant 0 : i32
      %scan3A_2 = arith.constant 64 : i32
      %scan3A_3 = arith.addi %scan3A_1, %scan3A_2 : i32
      %scan3A_4 = arith.constant 1 : i32
      scf.for %scan3A_67 = %scan3A_1 to %scan3A_3 step %scan3A_4  : i32 {
        %broadcast_in_dim3A = arith.constant 0.000000e+00 : f32
        %broadcast_in_dim3A_68 = vector.broadcast %broadcast_in_dim3A : f32 to vector<16xf32>
        %swap3A = arith.index_cast %scan3A_67 : i32 to index
        %swap3A_69 = arith.constant 0 : index
        %swap3A_70 = tpu.vector_load %run_scoped3A[%swap3A, %swap3A_69] {strides = array<i32>} : memref<128x128xf32, #tpu.memory_space<vmem>>, vector<1x16xf32>,
        %swap3A_71 = vector.shape_cast %swap3A_70 : vector<1x16xf32> to vector<16xf32>
        %swap3A_72 = vector.shape_cast %broadcast_in_dim3A_68 : vector<16xf32> to vector<1x16xf32>
        tpu.vector_store %run_scoped3A[%swap3A, %swap3A_69], %swap3A_72 {strides = array<i32>} : memref<128x128xf32, #tpu.memory_space<vmem>>, vector<1x16xf32>,
        %broadcast_in_dim3A_73 = arith.constant 0.000000e+00 : f32
        %broadcast_in_dim3A_74 = vector.broadcast %broadcast_in_dim3A_73 : f32 to vector<16xf32>
        %swap3A_75 = arith.index_cast %scan3A_67 : i32 to index
        %swap3A_76 = arith.constant 16 : index
        %swap3A_77 = tpu.vector_load %run_scoped3A[%swap3A_75, %swap3A_76] {strides = array<i32>} : memref<128x128xf32, #tpu.memory_space<vmem>>, vector<1x16xf32>,
        %swap3A_78 = vector.shape_cast %swap3A_77 : vector<1x16xf32> to vector<16xf32>
        %swap3A_79 = vector.shape_cast %broadcast_in_dim3A_74 : vector<16xf32> to vector<1x16xf32>
        tpu.vector_store %run_scoped3A[%swap3A_75, %swap3A_76], %swap3A_79 {strides = array<i32>} : memref<128x128xf32, #tpu.memory_space<vmem>>, vector<1x16xf32>,
        %broadcast_in_dim3A_80 = arith.constant 0.000000e+00 : f32
        %broadcast_in_dim3A_81 = vector.broadcast %broadcast_in_dim3A_80 : f32 to vector<16xf32>
        %swap3A_82 = arith.index_cast %scan3A_67 : i32 to index
        %swap3A_83 = arith.constant 32 : index
        %swap3A_84 = tpu.vector_load %run_scoped3A[%swap3A_82, %swap3A_83] {strides = array<i32>} : memref<128x128xf32, #tpu.memory_space<vmem>>, vector<1x16xf32>,
        %swap3A_85 = vector.shape_cast %swap3A_84 : vector<1x16xf32> to vector<16xf32>
        %swap3A_86 = vector.shape_cast %broadcast_in_dim3A_81 : vector<16xf32> to vector<1x16xf32>
        tpu.vector_store %run_scoped3A[%swap3A_82, %swap3A_83], %swap3A_86 {strides = array<i32>} : memref<128x128xf32, #tpu.memory_space<vmem>>, vector<1x16xf32>,
        %broadcast_in_dim3A_87 = arith.constant 0.000000e+00 : f32
        %broadcast_in_dim3A_88 = vector.broadcast %broadcast_in_dim3A_87 : f32 to vector<16xf32>
        %swap3A_89 = arith.index_cast %scan3A_67 : i32 to index
        %swap3A_90 = arith.constant 48 : index
        %swap3A_91 = tpu.vector_load %run_scoped3A[%swap3A_89, %swap3A_90] {strides = array<i32>} : memref<128x128xf32, #tpu.memory_space<vmem>>, vector<1x16xf32>,
        %swap3A_92 = vector.shape_cast %swap3A_91 : vector<1x16xf32> to vector<16xf32>
        %swap3A_93 = vector.shape_cast %broadcast_in_dim3A_88 : vector<16xf32> to vector<1x16xf32>
        tpu.vector_store %run_scoped3A[%swap3A_89, %swap3A_90], %swap3A_93 {strides = array<i32>} : memref<128x128xf32, #tpu.memory_space<vmem>>, vector<1x16xf32>,
        %broadcast_in_dim3A_94 = arith.constant 0.000000e+00 : f32
        %broadcast_in_dim3A_95 = vector.broadcast %broadcast_in_dim3A_94 : f32 to vector<16xf32>
        %swap3A_96 = arith.index_cast %scan3A_67 : i32 to index
        %swap3A_97 = arith.constant 64 : index
        %swap3A_98 = tpu.vector_load %run_scoped3A[%swap3A_96, %swap3A_97] {strides = array<i32>} : memref<128x128xf32, #tpu.memory_space<vmem>>, vector<1x16xf32>,
        %swap3A_99 = vector.shape_cast %swap3A_98 : vector<1x16xf32> to vector<16xf32>
        %swap3A_100 = vector.shape_cast %broadcast_in_dim3A_95 : vector<16xf32> to vector<1x16xf32>
        tpu.vector_store %run_scoped3A[%swap3A_96, %swap3A_97], %swap3A_100 {strides = array<i32>} : memref<128x128xf32, #tpu.memory_space<vmem>>, vector<1x16xf32>,
        %broadcast_in_dim3A_101 = arith.constant 0.000000e+00 : f32
        %broadcast_in_dim3A_102 = vector.broadcast %broadcast_in_dim3A_101 : f32 to vector<16xf32>
        %swap3A_103 = arith.index_cast %scan3A_67 : i32 to index
        %swap3A_104 = arith.constant 80 : index
        %swap3A_105 = tpu.vector_load %run_scoped3A[%swap3A_103, %swap3A_104] {strides = array<i32>} : memref<128x128xf32, #tpu.memory_space<vmem>>, vector<1x16xf32>,
        %swap3A_106 = vector.shape_cast %swap3A_105 : vector<1x16xf32> to vector<16xf32>
        %swap3A_107 = vector.shape_cast %broadcast_in_dim3A_102 : vector<16xf32> to vector<1x16xf32>
        tpu.vector_store %run_scoped3A[%swap3A_103, %swap3A_104], %swap3A_107 {strides = array<i32>} : memref<128x128xf32, #tpu.memory_space<vmem>>, vector<1x16xf32>,
        %broadcast_in_dim3A_108 = arith.constant 0.000000e+00 : f32
        %broadcast_in_dim3A_109 = vector.broadcast %broadcast_in_dim3A_108 : f32 to vector<16xf32>
        %swap3A_110 = arith.index_cast %scan3A_67 : i32 to index
        %swap3A_111 = arith.constant 96 : index
        %swap3A_112 = tpu.vector_load %run_scoped3A[%swap3A_110, %swap3A_111] {strides = array<i32>} : memref<128x128xf32, #tpu.memory_space<vmem>>, vector<1x16xf32>,
        %swap3A_113 = vector.shape_cast %swap3A_112 : vector<1x16xf32> to vector<16xf32>
        %swap3A_114 = vector.shape_cast %broadcast_in_dim3A_109 : vector<16xf32> to vector<1x16xf32>
        tpu.vector_store %run_scoped3A[%swap3A_110, %swap3A_111], %swap3A_114 {strides = array<i32>} : memref<128x128xf32, #tpu.memory_space<vmem>>, vector<1x16xf32>,
        %broadcast_in_dim3A_115 = arith.constant 0.000000e+00 : f32
        %broadcast_in_dim3A_116 = vector.broadcast %broadcast_in_dim3A_115 : f32 to vector<16xf32>
        %swap3A_117 = arith.index_cast %scan3A_67 : i32 to index
        %swap3A_118 = arith.constant 112 : index
        %swap3A_119 = tpu.vector_load %run_scoped3A[%swap3A_117, %swap3A_118] {strides = array<i32>} : memref<128x128xf32, #tpu.memory_space<vmem>>, vector<1x16xf32>,
        %swap3A_120 = vector.shape_cast %swap3A_119 : vector<1x16xf32> to vector<16xf32>
        %swap3A_121 = vector.shape_cast %broadcast_in_dim3A_116 : vector<16xf32> to vector<1x16xf32>
        tpu.vector_store %run_scoped3A[%swap3A_117, %swap3A_118], %swap3A_121 {strides = array<i32>} : memref<128x128xf32, #tpu.memory_space<vmem>>, vector<1x16xf32>,
      }
      %scan3A_5 = arith.constant 64 : i32
      %scan3A_6 = arith.constant 0 : i32
      %scan3A_7 = arith.constant 0 : i32
      %scan3A_8 = arith.constant 10 : i32
      %scan3A_9 = arith.addi %scan3A_7, %scan3A_8 : i32
      %scan3A_10 = arith.constant 1 : i32
      scf.for %scan3A_67 = %scan3A_7 to %scan3A_9 step %scan3A_10  : i32 {
        %mul3A_68 = arith.constant 640 : i32
        %mul3A_69 = arith.muli %arg1, %mul3A_68 : i32
        %mul3A_70 = arith.constant 64 : i32
        %mul3A_71 = arith.muli %scan3A_67, %mul3A_70 : i32
        %add3A_72 = arith.addi %mul3A_69, %mul3A_71 : i32
        "tpu.region"() ({
          %run_scoped3A_73 = tpu.sem_alloc : memref<!tpu.dma_semaphore, #tpu.memory_space<semaphore_mem>>
          %dma_start3A_74 = arith.constant 0 : i32
          %dma_start3A_75 = arith.constant 0 : i32
          %dma_start3A_76 = tpu.memref_slice %run_scoped3A[%dma_start3A_74, %dma_start3A_75] : memref<128x128xf32, #tpu.memory_space<vmem>> -> memref<64x128xf32, #tpu.memory_space<vmem>>
          %dma_start3A_77 = arith.constant 0 : i32
          %dma_start3A_78 = tpu.memref_slice %arg10[%add3A_72, %dma_start3A_77] : memref<10240x128xf32, #tpu.memory_space<vmem_shared>> -> memref<64x128xf32, #tpu.memory_space<vmem_shared>>
          %dma_start3A_79 = arith.constant 0 : i32
          %dma_start3A_80 = tpu.memref_slice %arg10[%add3A_72, %dma_start3A_79] : memref<10240x128xf32, #tpu.memory_space<vmem_shared>> -> memref<64x128xf32, #tpu.memory_space<vmem_shared>>
          %dma_start3A_81 = arith.constant 0 : i32
          %dma_start3A_82 = arith.constant 0 : i32
          %dma_start3A_83 = tpu.memref_slice %run_scoped3A[%dma_start3A_81, %dma_start3A_82] : memref<128x128xf32, #tpu.memory_space<vmem>> -> memref<64x128xf32, #tpu.memory_space<vmem>>
          tpu.enqueue_dma source(%dma_start3A_83 : memref<64x128xf32, #tpu.memory_space<vmem>>) target(%dma_start3A_80 : memref<64x128xf32, #tpu.memory_space<vmem_shared>>) target_semaphore(%run_scoped3A_73 : memref<!tpu.dma_semaphore, #tpu.memory_space<semaphore_mem>>)
          %dma_wait3A = arith.constant 0 : i32
          %dma_wait3A_84 = arith.constant 0 : i32
          %dma_wait3A_85 = tpu.memref_slice %run_scoped3A[%dma_wait3A, %dma_wait3A_84] : memref<128x128xf32, #tpu.memory_space<vmem>> -> memref<64x128xf32, #tpu.memory_space<vmem>>
          %dma_wait3A_86 = arith.constant 0 : i32
          %dma_wait3A_87 = tpu.memref_slice %arg10[%add3A_72, %dma_wait3A_86] : memref<10240x128xf32, #tpu.memory_space<vmem_shared>> -> memref<64x128xf32, #tpu.memory_space<vmem_shared>>
          %dma_wait3A_88 = arith.constant 0 : i32
          %dma_wait3A_89 = tpu.memref_slice %arg10[%add3A_72, %dma_wait3A_88] : memref<10240x128xf32, #tpu.memory_space<vmem_shared>> -> memref<64x128xf32, #tpu.memory_space<vmem_shared>>
          %dma_wait3A_90 = arith.constant 0 : i32
          %dma_wait3A_91 = arith.constant 0 : i32
          %dma_wait3A_92 = tpu.memref_slice %run_scoped3A[%dma_wait3A_90, %dma_wait3A_91] : memref<128x128xf32, #tpu.memory_space<vmem>> -> memref<64x128xf32, #tpu.memory_space<vmem>>
          tpu.wait_dma2 semaphore(%run_scoped3A_73 : memref<!tpu.dma_semaphore, #tpu.memory_space<semaphore_mem>>) src(%dma_wait3A_92 : memref<64x128xf32, #tpu.memory_space<vmem>>) dst(%dma_wait3A_89 : memref<64x128xf32, #tpu.memory_space<vmem_shared>>)
          tpu.yield
        }) : () -> ()
      }
      %scan3A_11 = arith.constant 10 : i32
      %barrier3A = arith.constant 0 : index
      tpu.barrier barrier_id(%barrier3A)
      %mul3A = arith.constant 16 : i32
      %mul3A_12 = arith.muli %arg0, %mul3A : i32
      %add3A = arith.addi %mul3A_12, %arg1 : i32
      %mul3A_13 = arith.constant 80 : i32
      %mul3A_14 = arith.muli %add3A, %mul3A_13 : i32
      %add3A_15 = arith.constant 0 : i32
      %add3A_16 = arith.addi %mul3A_14, %add3A_15 : i32
      "tpu.region"() ({
        %run_scoped3A_67 = tpu.sem_alloc : memref<!tpu.dma_semaphore, #tpu.memory_space<semaphore_mem>>
        %dma_start3A_68 = arith.constant 0 : i32
        %dma_start3A_69 = tpu.memref_slice %arg3[%add3A_16, %dma_start3A_68] : memref<2560x128xi32, #tpu.memory_space<hbm>> -> memref<40x128xi32, #tpu.memory_space<hbm>>
        %dma_start3A_70 = arith.constant 0 : i32
        %dma_start3A_71 = tpu.memref_slice %arg3[%add3A_16, %dma_start3A_70] : memref<2560x128xi32, #tpu.memory_space<hbm>> -> memref<40x128xi32, #tpu.memory_space<hbm>>
        tpu.enqueue_dma source(%dma_start3A_71 : memref<40x128xi32, #tpu.memory_space<hbm>>) target(%arg6 : memref<40x128xi32, #tpu.memory_space<vmem>>) target_semaphore(%run_scoped3A_67 : memref<!tpu.dma_semaphore, #tpu.memory_space<semaphore_mem>>)
        %dma_wait3A = arith.constant 0 : i32
        %dma_wait3A_72 = tpu.memref_slice %arg3[%add3A_16, %dma_wait3A] : memref<2560x128xi32, #tpu.memory_space<hbm>> -> memref<40x128xi32, #tpu.memory_space<hbm>>
        %dma_wait3A_73 = arith.constant 0 : i32
        %dma_wait3A_74 = tpu.memref_slice %arg3[%add3A_16, %dma_wait3A_73] : memref<2560x128xi32, #tpu.memory_space<hbm>> -> memref<40x128xi32, #tpu.memory_space<hbm>>
        tpu.wait_dma2 semaphore(%run_scoped3A_67 : memref<!tpu.dma_semaphore, #tpu.memory_space<semaphore_mem>>) src(%dma_wait3A_74 : memref<40x128xi32, #tpu.memory_space<hbm>>) dst(%arg6 : memref<40x128xi32, #tpu.memory_space<vmem>>)
        tpu.yield
      }) : () -> ()
      %add3A_17 = arith.constant 0 : i32
      %add3A_18 = arith.addi %mul3A_14, %add3A_17 : i32
      "tpu.region"() ({
        %run_scoped3A_67 = tpu.sem_alloc : memref<!tpu.dma_semaphore, #tpu.memory_space<semaphore_mem>>
        %dma_start3A_68 = arith.constant 0 : i32
        %dma_start3A_69 = tpu.memref_slice %arg4[%add3A_18, %dma_start3A_68] : memref<2560x128xi32, #tpu.memory_space<hbm>> -> memref<40x128xi32, #tpu.memory_space<hbm>>
        %dma_start3A_70 = arith.constant 0 : i32
        %dma_start3A_71 = tpu.memref_slice %arg4[%add3A_18, %dma_start3A_70] : memref<2560x128xi32, #tpu.memory_space<hbm>> -> memref<40x128xi32, #tpu.memory_space<hbm>>
        tpu.enqueue_dma source(%dma_start3A_71 : memref<40x128xi32, #tpu.memory_space<hbm>>) target(%arg7 : memref<40x128xi32, #tpu.memory_space<vmem>>) target_semaphore(%run_scoped3A_67 : memref<!tpu.dma_semaphore, #tpu.memory_space<semaphore_mem>>)
        %dma_wait3A = arith.constant 0 : i32
        %dma_wait3A_72 = tpu.memref_slice %arg4[%add3A_18, %dma_wait3A] : memref<2560x128xi32, #tpu.memory_space<hbm>> -> memref<40x128xi32, #tpu.memory_space<hbm>>
        %dma_wait3A_73 = arith.constant 0 : i32
        %dma_wait3A_74 = tpu.memref_slice %arg4[%add3A_18, %dma_wait3A_73] : memref<2560x128xi32, #tpu.memory_space<hbm>> -> memref<40x128xi32, #tpu.memory_space<hbm>>
        tpu.wait_dma2 semaphore(%run_scoped3A_67 : memref<!tpu.dma_semaphore, #tpu.memory_space<semaphore_mem>>) src(%dma_wait3A_74 : memref<40x128xi32, #tpu.memory_space<hbm>>) dst(%arg7 : memref<40x128xi32, #tpu.memory_space<vmem>>)
        tpu.yield
      }) : () -> ()
      %dma_start3A = arith.constant 0 : i32
      %dma_start3A_19 = arith.constant 0 : i32
      %dma_start3A_20 = tpu.memref_slice %arg6[%dma_start3A, %dma_start3A_19] : memref<40x128xi32, #tpu.memory_space<vmem>> -> memref<1x128xi32, #tpu.memory_space<vmem>>
      %dma_start3A_21 = tpu.memref_squeeze %dma_start3A_20 : memref<1x128xi32, #tpu.memory_space<vmem>> -> memref<128xi32, #tpu.memory_space<vmem>>
      %dma_start3A_22 = arith.constant 0 : i32
      %dma_start3A_23 = arith.constant 0 : i32
      %dma_start3A_24 = tpu.memref_slice %arg2[%dma_start3A_22, %dma_start3A_23] : memref<10240x128xf32, #tpu.memory_space<hbm>> -> memref<10240x128xf32, #tpu.memory_space<hbm>>
      tpu.enqueue_indirect_dma source(%dma_start3A_24 : memref<10240x128xf32, #tpu.memory_space<hbm>>) target(%run_scoped3A : memref<128x128xf32, #tpu.memory_space<vmem>>) offsets(%dma_start3A_21 : memref<128xi32, #tpu.memory_space<vmem>>) semaphore(%arg8 : memref<!tpu.dma_semaphore, #tpu.memory_space<semaphore_mem>>)
      %dma_start3A_25 = arith.constant 1 : i32
      %dma_start3A_26 = arith.constant 0 : i32
      %dma_start3A_27 = tpu.memref_slice %arg6[%dma_start3A_25, %dma_start3A_26] : memref<40x128xi32, #tpu.memory_space<vmem>> -> memref<1x128xi32, #tpu.memory_space<vmem>>
      %dma_start3A_28 = tpu.memref_squeeze %dma_start3A_27 : memref<1x128xi32, #tpu.memory_space<vmem>> -> memref<128xi32, #tpu.memory_space<vmem>>
      %dma_start3A_29 = arith.constant 0 : i32
      %dma_start3A_30 = arith.constant 0 : i32
      %dma_start3A_31 = tpu.memref_slice %arg2[%dma_start3A_29, %dma_start3A_30] : memref<10240x128xf32, #tpu.memory_space<hbm>> -> memref<10240x128xf32, #tpu.memory_space<hbm>>
      tpu.enqueue_indirect_dma source(%dma_start3A_31 : memref<10240x128xf32, #tpu.memory_space<hbm>>) target(%run_scoped3A_0 : memref<128x128xf32, #tpu.memory_space<vmem>>) offsets(%dma_start3A_28 : memref<128xi32, #tpu.memory_space<vmem>>) semaphore(%arg9 : memref<!tpu.dma_semaphore, #tpu.memory_space<semaphore_mem>>)
      %scan3A_32 = arith.constant 0 : i32
      %scan3A_33 = arith.constant 0 : i32
      %scan3A_34 = arith.constant 20 : i32
      %scan3A_35 = arith.addi %scan3A_33, %scan3A_34 : i32
      %scan3A_36 = arith.constant 1 : i32
      scf.for %scan3A_67 = %scan3A_33 to %scan3A_35 step %scan3A_36  : i32 {
        %mul3A_68 = arith.constant 2 : i32
        %mul3A_69 = arith.muli %mul3A_68, %scan3A_67 : i32
        %dma_wait3A = arith.constant 0 : i32
        %dma_wait3A_70 = tpu.memref_slice %arg6[%mul3A_69, %dma_wait3A] : memref<40x128xi32, #tpu.memory_space<vmem>> -> memref<1x128xi32, #tpu.memory_space<vmem>>
        %dma_wait3A_71 = tpu.memref_squeeze %dma_wait3A_70 : memref<1x128xi32, #tpu.memory_space<vmem>> -> memref<128xi32, #tpu.memory_space<vmem>>
        %dma_wait3A_72 = arith.constant 0 : i32
        %dma_wait3A_73 = arith.constant 0 : i32
        %dma_wait3A_74 = tpu.memref_slice %arg2[%dma_wait3A_72, %dma_wait3A_73] : memref<10240x128xf32, #tpu.memory_space<hbm>> -> memref<10240x128xf32, #tpu.memory_space<hbm>>
        tpu.wait_indirect_dma semaphore(%arg8 : memref<!tpu.dma_semaphore, #tpu.memory_space<semaphore_mem>>) src(%dma_wait3A_74 : memref<10240x128xf32, #tpu.memory_space<hbm>>) dst(%run_scoped3A : memref<128x128xf32, #tpu.memory_space<vmem>>)
        "tpu.region"() ({
          %run_scoped3A_96 = tpu.sem_alloc : memref<!tpu.dma_semaphore, #tpu.memory_space<semaphore_mem>>
          %dma_start3A_97 = arith.constant 0 : i32
          %dma_start3A_98 = tpu.memref_slice %arg7[%mul3A_69, %dma_start3A_97] : memref<40x128xi32, #tpu.memory_space<vmem>> -> memref<1x128xi32, #tpu.memory_space<vmem>>
          %dma_start3A_99 = tpu.memref_squeeze %dma_start3A_98 : memref<1x128xi32, #tpu.memory_space<vmem>> -> memref<128xi32, #tpu.memory_space<vmem>>
          %dma_start3A_100 = arith.constant 0 : i32
          %dma_start3A_101 = arith.constant 0 : i32
          %dma_start3A_102 = tpu.memref_slice %arg10[%dma_start3A_100, %dma_start3A_101] : memref<10240x128xf32, #tpu.memory_space<vmem_shared>> -> memref<10240x128xf32, #tpu.memory_space<vmem_shared>>
          tpu.enqueue_indirect_dma source(%run_scoped3A : memref<128x128xf32, #tpu.memory_space<vmem>>) target(%dma_start3A_102 : memref<10240x128xf32, #tpu.memory_space<vmem_shared>>) offsets(%dma_start3A_99 : memref<128xi32, #tpu.memory_space<vmem>>) semaphore(%run_scoped3A_96 : memref<!tpu.dma_semaphore, #tpu.memory_space<semaphore_mem>>) {add = true}
          %dma_wait3A_103 = arith.constant 0 : i32
          %dma_wait3A_104 = tpu.memref_slice %arg7[%mul3A_69, %dma_wait3A_103] : memref<40x128xi32, #tpu.memory_space<vmem>> -> memref<1x128xi32, #tpu.memory_space<vmem>>
          %dma_wait3A_105 = tpu.memref_squeeze %dma_wait3A_104 : memref<1x128xi32, #tpu.memory_space<vmem>> -> memref<128xi32, #tpu.memory_space<vmem>>
          %dma_wait3A_106 = arith.constant 0 : i32
          %dma_wait3A_107 = arith.constant 0 : i32
          %dma_wait3A_108 = tpu.memref_slice %arg10[%dma_wait3A_106, %dma_wait3A_107] : memref<10240x128xf32, #tpu.memory_space<vmem_shared>> -> memref<10240x128xf32, #tpu.memory_space<vmem_shared>>
          tpu.wait_indirect_dma semaphore(%run_scoped3A_96 : memref<!tpu.dma_semaphore, #tpu.memory_space<semaphore_mem>>) src(%run_scoped3A : memref<128x128xf32, #tpu.memory_space<vmem>>) dst(%dma_wait3A_108 : memref<10240x128xf32, #tpu.memory_space<vmem_shared>>)
          tpu.yield
        }) : () -> ()
        %add3A_75 = arith.constant 1 : i32
        %add3A_76 = arith.addi %scan3A_67, %add3A_75 : i32
        %lt3A = arith.constant 20 : i32
        %lt3A_77 = arith.cmpi slt, %add3A_76, %lt3A : i32
        %convert_element_type3A = arith.extui %lt3A_77 : i1 to i32
        %cond3A = arith.constant 0 : i32
        %cond3A_78 = arith.cmpi ne, %convert_element_type3A, %cond3A : i32
        scf.if %cond3A_78 {
          %add3A_96 = arith.constant 2 : i32
          %add3A_97 = arith.addi %mul3A_69, %add3A_96 : i32
          %dma_start3A_98 = arith.constant 0 : i32
          %dma_start3A_99 = tpu.memref_slice %arg6[%add3A_97, %dma_start3A_98] : memref<40x128xi32, #tpu.memory_space<vmem>> -> memref<1x128xi32, #tpu.memory_space<vmem>>
          %dma_start3A_100 = tpu.memref_squeeze %dma_start3A_99 : memref<1x128xi32, #tpu.memory_space<vmem>> -> memref<128xi32, #tpu.memory_space<vmem>>
          %dma_start3A_101 = arith.constant 0 : i32
          %dma_start3A_102 = arith.constant 0 : i32
          %dma_start3A_103 = tpu.memref_slice %arg2[%dma_start3A_101, %dma_start3A_102] : memref<10240x128xf32, #tpu.memory_space<hbm>> -> memref<10240x128xf32, #tpu.memory_space<hbm>>
          tpu.enqueue_indirect_dma source(%dma_start3A_103 : memref<10240x128xf32, #tpu.memory_space<hbm>>) target(%run_scoped3A : memref<128x128xf32, #tpu.memory_space<vmem>>) offsets(%dma_start3A_100 : memref<128xi32, #tpu.memory_space<vmem>>) semaphore(%arg8 : memref<!tpu.dma_semaphore, #tpu.memory_space<semaphore_mem>>)
        } else {
        }
        %add3A_79 = arith.constant 1 : i32
        %add3A_80 = arith.addi %mul3A_69, %add3A_79 : i32
        %dma_wait3A_81 = arith.constant 0 : i32
        %dma_wait3A_82 = tpu.memref_slice %arg6[%add3A_80, %dma_wait3A_81] : memref<40x128xi32, #tpu.memory_space<vmem>> -> memref<1x128xi32, #tpu.memory_space<vmem>>
        %dma_wait3A_83 = tpu.memref_squeeze %dma_wait3A_82 : memref<1x128xi32, #tpu.memory_space<vmem>> -> memref<128xi32, #tpu.memory_space<vmem>>
        %dma_wait3A_84 = arith.constant 0 : i32
        %dma_wait3A_85 = arith.constant 0 : i32
        %dma_wait3A_86 = tpu.memref_slice %arg2[%dma_wait3A_84, %dma_wait3A_85] : memref<10240x128xf32, #tpu.memory_space<hbm>> -> memref<10240x128xf32, #tpu.memory_space<hbm>>
        tpu.wait_indirect_dma semaphore(%arg9 : memref<!tpu.dma_semaphore, #tpu.memory_space<semaphore_mem>>) src(%dma_wait3A_86 : memref<10240x128xf32, #tpu.memory_space<hbm>>) dst(%run_scoped3A_0 : memref<128x128xf32, #tpu.memory_space<vmem>>)
        %add3A_87 = arith.constant 1 : i32
        %add3A_88 = arith.addi %mul3A_69, %add3A_87 : i32
        "tpu.region"() ({
          %run_scoped3A_96 = tpu.sem_alloc : memref<!tpu.dma_semaphore, #tpu.memory_space<semaphore_mem>>
          %dma_start3A_97 = arith.constant 0 : i32
          %dma_start3A_98 = tpu.memref_slice %arg7[%add3A_88, %dma_start3A_97] : memref<40x128xi32, #tpu.memory_space<vmem>> -> memref<1x128xi32, #tpu.memory_space<vmem>>
          %dma_start3A_99 = tpu.memref_squeeze %dma_start3A_98 : memref<1x128xi32, #tpu.memory_space<vmem>> -> memref<128xi32, #tpu.memory_space<vmem>>
          %dma_start3A_100 = arith.constant 0 : i32
          %dma_start3A_101 = arith.constant 0 : i32
          %dma_start3A_102 = tpu.memref_slice %arg10[%dma_start3A_100, %dma_start3A_101] : memref<10240x128xf32, #tpu.memory_space<vmem_shared>> -> memref<10240x128xf32, #tpu.memory_space<vmem_shared>>
          tpu.enqueue_indirect_dma source(%run_scoped3A_0 : memref<128x128xf32, #tpu.memory_space<vmem>>) target(%dma_start3A_102 : memref<10240x128xf32, #tpu.memory_space<vmem_shared>>) offsets(%dma_start3A_99 : memref<128xi32, #tpu.memory_space<vmem>>) semaphore(%run_scoped3A_96 : memref<!tpu.dma_semaphore, #tpu.memory_space<semaphore_mem>>) {add = true}
          %dma_wait3A_103 = arith.constant 0 : i32
          %dma_wait3A_104 = tpu.memref_slice %arg7[%add3A_88, %dma_wait3A_103] : memref<40x128xi32, #tpu.memory_space<vmem>> -> memref<1x128xi32, #tpu.memory_space<vmem>>
          %dma_wait3A_105 = tpu.memref_squeeze %dma_wait3A_104 : memref<1x128xi32, #tpu.memory_space<vmem>> -> memref<128xi32, #tpu.memory_space<vmem>>
          %dma_wait3A_106 = arith.constant 0 : i32
          %dma_wait3A_107 = arith.constant 0 : i32
          %dma_wait3A_108 = tpu.memref_slice %arg10[%dma_wait3A_106, %dma_wait3A_107] : memref<10240x128xf32, #tpu.memory_space<vmem_shared>> -> memref<10240x128xf32, #tpu.memory_space<vmem_shared>>
          tpu.wait_indirect_dma semaphore(%run_scoped3A_96 : memref<!tpu.dma_semaphore, #tpu.memory_space<semaphore_mem>>) src(%run_scoped3A_0 : memref<128x128xf32, #tpu.memory_space<vmem>>) dst(%dma_wait3A_108 : memref<10240x128xf32, #tpu.memory_space<vmem_shared>>)
          tpu.yield
        }) : () -> ()
        %add3A_89 = arith.constant 1 : i32
        %add3A_90 = arith.addi %scan3A_67, %add3A_89 : i32
        %lt3A_91 = arith.constant 20 : i32
        %lt3A_92 = arith.cmpi slt, %add3A_90, %lt3A_91 : i32
        %convert_element_type3A_93 = arith.extui %lt3A_92 : i1 to i32
        %cond3A_94 = arith.constant 0 : i32
        %cond3A_95 = arith.cmpi ne, %convert_element_type3A_93, %cond3A_94 : i32
        scf.if %cond3A_95 {
          %add3A_96 = arith.constant 3 : i32
          %add3A_97 = arith.addi %mul3A_69, %add3A_96 : i32
          %dma_start3A_98 = arith.constant 0 : i32
          %dma_start3A_99 = tpu.memref_slice %arg6[%add3A_97, %dma_start3A_98] : memref<40x128xi32, #tpu.memory_space<vmem>> -> memref<1x128xi32, #tpu.memory_space<vmem>>
          %dma_start3A_100 = tpu.memref_squeeze %dma_start3A_99 : memref<1x128xi32, #tpu.memory_space<vmem>> -> memref<128xi32, #tpu.memory_space<vmem>>
          %dma_start3A_101 = arith.constant 0 : i32
          %dma_start3A_102 = arith.constant 0 : i32
          %dma_start3A_103 = tpu.memref_slice %arg2[%dma_start3A_101, %dma_start3A_102] : memref<10240x128xf32, #tpu.memory_space<hbm>> -> memref<10240x128xf32, #tpu.memory_space<hbm>>
          tpu.enqueue_indirect_dma source(%dma_start3A_103 : memref<10240x128xf32, #tpu.memory_space<hbm>>) target(%run_scoped3A_0 : memref<128x128xf32, #tpu.memory_space<vmem>>) offsets(%dma_start3A_100 : memref<128xi32, #tpu.memory_space<vmem>>) semaphore(%arg9 : memref<!tpu.dma_semaphore, #tpu.memory_space<semaphore_mem>>)
        } else {
        }
      }
      %scan3A_37 = arith.constant 20 : i32
      %add3A_38 = arith.constant 40 : i32
      %add3A_39 = arith.addi %mul3A_14, %add3A_38 : i32
      "tpu.region"() ({
        %run_scoped3A_67 = tpu.sem_alloc : memref<!tpu.dma_semaphore, #tpu.memory_space<semaphore_mem>>
        %dma_start3A_68 = arith.constant 0 : i32
        %dma_start3A_69 = tpu.memref_slice %arg3[%add3A_39, %dma_start3A_68] : memref<2560x128xi32, #tpu.memory_space<hbm>> -> memref<40x128xi32, #tpu.memory_space<hbm>>
        %dma_start3A_70 = arith.constant 0 : i32
        %dma_start3A_71 = tpu.memref_slice %arg3[%add3A_39, %dma_start3A_70] : memref<2560x128xi32, #tpu.memory_space<hbm>> -> memref<40x128xi32, #tpu.memory_space<hbm>>
        tpu.enqueue_dma source(%dma_start3A_71 : memref<40x128xi32, #tpu.memory_space<hbm>>) target(%arg6 : memref<40x128xi32, #tpu.memory_space<vmem>>) target_semaphore(%run_scoped3A_67 : memref<!tpu.dma_semaphore, #tpu.memory_space<semaphore_mem>>)
        %dma_wait3A = arith.constant 0 : i32
        %dma_wait3A_72 = tpu.memref_slice %arg3[%add3A_39, %dma_wait3A] : memref<2560x128xi32, #tpu.memory_space<hbm>> -> memref<40x128xi32, #tpu.memory_space<hbm>>
        %dma_wait3A_73 = arith.constant 0 : i32
        %dma_wait3A_74 = tpu.memref_slice %arg3[%add3A_39, %dma_wait3A_73] : memref<2560x128xi32, #tpu.memory_space<hbm>> -> memref<40x128xi32, #tpu.memory_space<hbm>>
        tpu.wait_dma2 semaphore(%run_scoped3A_67 : memref<!tpu.dma_semaphore, #tpu.memory_space<semaphore_mem>>) src(%dma_wait3A_74 : memref<40x128xi32, #tpu.memory_space<hbm>>) dst(%arg6 : memref<40x128xi32, #tpu.memory_space<vmem>>)
        tpu.yield
      }) : () -> ()
      %add3A_40 = arith.constant 40 : i32
      %add3A_41 = arith.addi %mul3A_14, %add3A_40 : i32
      "tpu.region"() ({
        %run_scoped3A_67 = tpu.sem_alloc : memref<!tpu.dma_semaphore, #tpu.memory_space<semaphore_mem>>
        %dma_start3A_68 = arith.constant 0 : i32
        %dma_start3A_69 = tpu.memref_slice %arg4[%add3A_41, %dma_start3A_68] : memref<2560x128xi32, #tpu.memory_space<hbm>> -> memref<40x128xi32, #tpu.memory_space<hbm>>
        %dma_start3A_70 = arith.constant 0 : i32
        %dma_start3A_71 = tpu.memref_slice %arg4[%add3A_41, %dma_start3A_70] : memref<2560x128xi32, #tpu.memory_space<hbm>> -> memref<40x128xi32, #tpu.memory_space<hbm>>
        tpu.enqueue_dma source(%dma_start3A_71 : memref<40x128xi32, #tpu.memory_space<hbm>>) target(%arg7 : memref<40x128xi32, #tpu.memory_space<vmem>>) target_semaphore(%run_scoped3A_67 : memref<!tpu.dma_semaphore, #tpu.memory_space<semaphore_mem>>)
        %dma_wait3A = arith.constant 0 : i32
        %dma_wait3A_72 = tpu.memref_slice %arg4[%add3A_41, %dma_wait3A] : memref<2560x128xi32, #tpu.memory_space<hbm>> -> memref<40x128xi32, #tpu.memory_space<hbm>>
        %dma_wait3A_73 = arith.constant 0 : i32
        %dma_wait3A_74 = tpu.memref_slice %arg4[%add3A_41, %dma_wait3A_73] : memref<2560x128xi32, #tpu.memory_space<hbm>> -> memref<40x128xi32, #tpu.memory_space<hbm>>
        tpu.wait_dma2 semaphore(%run_scoped3A_67 : memref<!tpu.dma_semaphore, #tpu.memory_space<semaphore_mem>>) src(%dma_wait3A_74 : memref<40x128xi32, #tpu.memory_space<hbm>>) dst(%arg7 : memref<40x128xi32, #tpu.memory_space<vmem>>)
        tpu.yield
      }) : () -> ()
      %dma_start3A_42 = arith.constant 0 : i32
      %dma_start3A_43 = arith.constant 0 : i32
      %dma_start3A_44 = tpu.memref_slice %arg6[%dma_start3A_42, %dma_start3A_43] : memref<40x128xi32, #tpu.memory_space<vmem>> -> memref<1x128xi32, #tpu.memory_space<vmem>>
      %dma_start3A_45 = tpu.memref_squeeze %dma_start3A_44 : memref<1x128xi32, #tpu.memory_space<vmem>> -> memref<128xi32, #tpu.memory_space<vmem>>
      %dma_start3A_46 = arith.constant 0 : i32
      %dma_start3A_47 = arith.constant 0 : i32
      %dma_start3A_48 = tpu.memref_slice %arg2[%dma_start3A_46, %dma_start3A_47] : memref<10240x128xf32, #tpu.memory_space<hbm>> -> memref<10240x128xf32, #tpu.memory_space<hbm>>
      tpu.enqueue_indirect_dma source(%dma_start3A_48 : memref<10240x128xf32, #tpu.memory_space<hbm>>) target(%run_scoped3A : memref<128x128xf32, #tpu.memory_space<vmem>>) offsets(%dma_start3A_45 : memref<128xi32, #tpu.memory_space<vmem>>) semaphore(%arg8 : memref<!tpu.dma_semaphore, #tpu.memory_space<semaphore_mem>>)
      %dma_start3A_49 = arith.constant 1 : i32
      %dma_start3A_50 = arith.constant 0 : i32
      %dma_start3A_51 = tpu.memref_slice %arg6[%dma_start3A_49, %dma_start3A_50] : memref<40x128xi32, #tpu.memory_space<vmem>> -> memref<1x128xi32, #tpu.memory_space<vmem>>
      %dma_start3A_52 = tpu.memref_squeeze %dma_start3A_51 : memref<1x128xi32, #tpu.memory_space<vmem>> -> memref<128xi32, #tpu.memory_space<vmem>>
      %dma_start3A_53 = arith.constant 0 : i32
      %dma_start3A_54 = arith.constant 0 : i32
      %dma_start3A_55 = tpu.memref_slice %arg2[%dma_start3A_53, %dma_start3A_54] : memref<10240x128xf32, #tpu.memory_space<hbm>> -> memref<10240x128xf32, #tpu.memory_space<hbm>>
      tpu.enqueue_indirect_dma source(%dma_start3A_55 : memref<10240x128xf32, #tpu.memory_space<hbm>>) target(%run_scoped3A_0 : memref<128x128xf32, #tpu.memory_space<vmem>>) offsets(%dma_start3A_52 : memref<128xi32, #tpu.memory_space<vmem>>) semaphore(%arg9 : memref<!tpu.dma_semaphore, #tpu.memory_space<semaphore_mem>>)
      %scan3A_56 = arith.constant 0 : i32
      %scan3A_57 = arith.constant 0 : i32
      %scan3A_58 = arith.constant 20 : i32
      %scan3A_59 = arith.addi %scan3A_57, %scan3A_58 : i32
      %scan3A_60 = arith.constant 1 : i32
      scf.for %scan3A_67 = %scan3A_57 to %scan3A_59 step %scan3A_60  : i32 {
        %mul3A_68 = arith.constant 2 : i32
        %mul3A_69 = arith.muli %mul3A_68, %scan3A_67 : i32
        %dma_wait3A = arith.constant 0 : i32
        %dma_wait3A_70 = tpu.memref_slice %arg6[%mul3A_69, %dma_wait3A] : memref<40x128xi32, #tpu.memory_space<vmem>> -> memref<1x128xi32, #tpu.memory_space<vmem>>
        %dma_wait3A_71 = tpu.memref_squeeze %dma_wait3A_70 : memref<1x128xi32, #tpu.memory_space<vmem>> -> memref<128xi32, #tpu.memory_space<vmem>>
        %dma_wait3A_72 = arith.constant 0 : i32
        %dma_wait3A_73 = arith.constant 0 : i32
        %dma_wait3A_74 = tpu.memref_slice %arg2[%dma_wait3A_72, %dma_wait3A_73] : memref<10240x128xf32, #tpu.memory_space<hbm>> -> memref<10240x128xf32, #tpu.memory_space<hbm>>
        tpu.wait_indirect_dma semaphore(%arg8 : memref<!tpu.dma_semaphore, #tpu.memory_space<semaphore_mem>>) src(%dma_wait3A_74 : memref<10240x128xf32, #tpu.memory_space<hbm>>) dst(%run_scoped3A : memref<128x128xf32, #tpu.memory_space<vmem>>)
        "tpu.region"() ({
          %run_scoped3A_96 = tpu.sem_alloc : memref<!tpu.dma_semaphore, #tpu.memory_space<semaphore_mem>>
          %dma_start3A_97 = arith.constant 0 : i32
          %dma_start3A_98 = tpu.memref_slice %arg7[%mul3A_69, %dma_start3A_97] : memref<40x128xi32, #tpu.memory_space<vmem>> -> memref<1x128xi32, #tpu.memory_space<vmem>>
          %dma_start3A_99 = tpu.memref_squeeze %dma_start3A_98 : memref<1x128xi32, #tpu.memory_space<vmem>> -> memref<128xi32, #tpu.memory_space<vmem>>
          %dma_start3A_100 = arith.constant 0 : i32
          %dma_start3A_101 = arith.constant 0 : i32
          %dma_start3A_102 = tpu.memref_slice %arg10[%dma_start3A_100, %dma_start3A_101] : memref<10240x128xf32, #tpu.memory_space<vmem_shared>> -> memref<10240x128xf32, #tpu.memory_space<vmem_shared>>
          tpu.enqueue_indirect_dma source(%run_scoped3A : memref<128x128xf32, #tpu.memory_space<vmem>>) target(%dma_start3A_102 : memref<10240x128xf32, #tpu.memory_space<vmem_shared>>) offsets(%dma_start3A_99 : memref<128xi32, #tpu.memory_space<vmem>>) semaphore(%run_scoped3A_96 : memref<!tpu.dma_semaphore, #tpu.memory_space<semaphore_mem>>) {add = true}
          %dma_wait3A_103 = arith.constant 0 : i32
          %dma_wait3A_104 = tpu.memref_slice %arg7[%mul3A_69, %dma_wait3A_103] : memref<40x128xi32, #tpu.memory_space<vmem>> -> memref<1x128xi32, #tpu.memory_space<vmem>>
          %dma_wait3A_105 = tpu.memref_squeeze %dma_wait3A_104 : memref<1x128xi32, #tpu.memory_space<vmem>> -> memref<128xi32, #tpu.memory_space<vmem>>
          %dma_wait3A_106 = arith.constant 0 : i32
          %dma_wait3A_107 = arith.constant 0 : i32
          %dma_wait3A_108 = tpu.memref_slice %arg10[%dma_wait3A_106, %dma_wait3A_107] : memref<10240x128xf32, #tpu.memory_space<vmem_shared>> -> memref<10240x128xf32, #tpu.memory_space<vmem_shared>>
          tpu.wait_indirect_dma semaphore(%run_scoped3A_96 : memref<!tpu.dma_semaphore, #tpu.memory_space<semaphore_mem>>) src(%run_scoped3A : memref<128x128xf32, #tpu.memory_space<vmem>>) dst(%dma_wait3A_108 : memref<10240x128xf32, #tpu.memory_space<vmem_shared>>)
          tpu.yield
        }) : () -> ()
        %add3A_75 = arith.constant 1 : i32
        %add3A_76 = arith.addi %scan3A_67, %add3A_75 : i32
        %lt3A = arith.constant 20 : i32
        %lt3A_77 = arith.cmpi slt, %add3A_76, %lt3A : i32
        %convert_element_type3A = arith.extui %lt3A_77 : i1 to i32
        %cond3A = arith.constant 0 : i32
        %cond3A_78 = arith.cmpi ne, %convert_element_type3A, %cond3A : i32
        scf.if %cond3A_78 {
          %add3A_96 = arith.constant 2 : i32
          %add3A_97 = arith.addi %mul3A_69, %add3A_96 : i32
          %dma_start3A_98 = arith.constant 0 : i32
          %dma_start3A_99 = tpu.memref_slice %arg6[%add3A_97, %dma_start3A_98] : memref<40x128xi32, #tpu.memory_space<vmem>> -> memref<1x128xi32, #tpu.memory_space<vmem>>
          %dma_start3A_100 = tpu.memref_squeeze %dma_start3A_99 : memref<1x128xi32, #tpu.memory_space<vmem>> -> memref<128xi32, #tpu.memory_space<vmem>>
          %dma_start3A_101 = arith.constant 0 : i32
          %dma_start3A_102 = arith.constant 0 : i32
          %dma_start3A_103 = tpu.memref_slice %arg2[%dma_start3A_101, %dma_start3A_102] : memref<10240x128xf32, #tpu.memory_space<hbm>> -> memref<10240x128xf32, #tpu.memory_space<hbm>>
          tpu.enqueue_indirect_dma source(%dma_start3A_103 : memref<10240x128xf32, #tpu.memory_space<hbm>>) target(%run_scoped3A : memref<128x128xf32, #tpu.memory_space<vmem>>) offsets(%dma_start3A_100 : memref<128xi32, #tpu.memory_space<vmem>>) semaphore(%arg8 : memref<!tpu.dma_semaphore, #tpu.memory_space<semaphore_mem>>)
        } else {
        }
        %add3A_79 = arith.constant 1 : i32
        %add3A_80 = arith.addi %mul3A_69, %add3A_79 : i32
        %dma_wait3A_81 = arith.constant 0 : i32
        %dma_wait3A_82 = tpu.memref_slice %arg6[%add3A_80, %dma_wait3A_81] : memref<40x128xi32, #tpu.memory_space<vmem>> -> memref<1x128xi32, #tpu.memory_space<vmem>>
        %dma_wait3A_83 = tpu.memref_squeeze %dma_wait3A_82 : memref<1x128xi32, #tpu.memory_space<vmem>> -> memref<128xi32, #tpu.memory_space<vmem>>
        %dma_wait3A_84 = arith.constant 0 : i32
        %dma_wait3A_85 = arith.constant 0 : i32
        %dma_wait3A_86 = tpu.memref_slice %arg2[%dma_wait3A_84, %dma_wait3A_85] : memref<10240x128xf32, #tpu.memory_space<hbm>> -> memref<10240x128xf32, #tpu.memory_space<hbm>>
        tpu.wait_indirect_dma semaphore(%arg9 : memref<!tpu.dma_semaphore, #tpu.memory_space<semaphore_mem>>) src(%dma_wait3A_86 : memref<10240x128xf32, #tpu.memory_space<hbm>>) dst(%run_scoped3A_0 : memref<128x128xf32, #tpu.memory_space<vmem>>)
        %add3A_87 = arith.constant 1 : i32
        %add3A_88 = arith.addi %mul3A_69, %add3A_87 : i32
        "tpu.region"() ({
          %run_scoped3A_96 = tpu.sem_alloc : memref<!tpu.dma_semaphore, #tpu.memory_space<semaphore_mem>>
          %dma_start3A_97 = arith.constant 0 : i32
          %dma_start3A_98 = tpu.memref_slice %arg7[%add3A_88, %dma_start3A_97] : memref<40x128xi32, #tpu.memory_space<vmem>> -> memref<1x128xi32, #tpu.memory_space<vmem>>
          %dma_start3A_99 = tpu.memref_squeeze %dma_start3A_98 : memref<1x128xi32, #tpu.memory_space<vmem>> -> memref<128xi32, #tpu.memory_space<vmem>>
          %dma_start3A_100 = arith.constant 0 : i32
          %dma_start3A_101 = arith.constant 0 : i32
          %dma_start3A_102 = tpu.memref_slice %arg10[%dma_start3A_100, %dma_start3A_101] : memref<10240x128xf32, #tpu.memory_space<vmem_shared>> -> memref<10240x128xf32, #tpu.memory_space<vmem_shared>>
          tpu.enqueue_indirect_dma source(%run_scoped3A_0 : memref<128x128xf32, #tpu.memory_space<vmem>>) target(%dma_start3A_102 : memref<10240x128xf32, #tpu.memory_space<vmem_shared>>) offsets(%dma_start3A_99 : memref<128xi32, #tpu.memory_space<vmem>>) semaphore(%run_scoped3A_96 : memref<!tpu.dma_semaphore, #tpu.memory_space<semaphore_mem>>) {add = true}
          %dma_wait3A_103 = arith.constant 0 : i32
          %dma_wait3A_104 = tpu.memref_slice %arg7[%add3A_88, %dma_wait3A_103] : memref<40x128xi32, #tpu.memory_space<vmem>> -> memref<1x128xi32, #tpu.memory_space<vmem>>
          %dma_wait3A_105 = tpu.memref_squeeze %dma_wait3A_104 : memref<1x128xi32, #tpu.memory_space<vmem>> -> memref<128xi32, #tpu.memory_space<vmem>>
          %dma_wait3A_106 = arith.constant 0 : i32
          %dma_wait3A_107 = arith.constant 0 : i32
          %dma_wait3A_108 = tpu.memref_slice %arg10[%dma_wait3A_106, %dma_wait3A_107] : memref<10240x128xf32, #tpu.memory_space<vmem_shared>> -> memref<10240x128xf32, #tpu.memory_space<vmem_shared>>
          tpu.wait_indirect_dma semaphore(%run_scoped3A_96 : memref<!tpu.dma_semaphore, #tpu.memory_space<semaphore_mem>>) src(%run_scoped3A_0 : memref<128x128xf32, #tpu.memory_space<vmem>>) dst(%dma_wait3A_108 : memref<10240x128xf32, #tpu.memory_space<vmem_shared>>)
          tpu.yield
        }) : () -> ()
        %add3A_89 = arith.constant 1 : i32
        %add3A_90 = arith.addi %scan3A_67, %add3A_89 : i32
        %lt3A_91 = arith.constant 20 : i32
        %lt3A_92 = arith.cmpi slt, %add3A_90, %lt3A_91 : i32
        %convert_element_type3A_93 = arith.extui %lt3A_92 : i1 to i32
        %cond3A_94 = arith.constant 0 : i32
        %cond3A_95 = arith.cmpi ne, %convert_element_type3A_93, %cond3A_94 : i32
        scf.if %cond3A_95 {
          %add3A_96 = arith.constant 3 : i32
          %add3A_97 = arith.addi %mul3A_69, %add3A_96 : i32
          %dma_start3A_98 = arith.constant 0 : i32
          %dma_start3A_99 = tpu.memref_slice %arg6[%add3A_97, %dma_start3A_98] : memref<40x128xi32, #tpu.memory_space<vmem>> -> memref<1x128xi32, #tpu.memory_space<vmem>>
          %dma_start3A_100 = tpu.memref_squeeze %dma_start3A_99 : memref<1x128xi32, #tpu.memory_space<vmem>> -> memref<128xi32, #tpu.memory_space<vmem>>
          %dma_start3A_101 = arith.constant 0 : i32
          %dma_start3A_102 = arith.constant 0 : i32
          %dma_start3A_103 = tpu.memref_slice %arg2[%dma_start3A_101, %dma_start3A_102] : memref<10240x128xf32, #tpu.memory_space<hbm>> -> memref<10240x128xf32, #tpu.memory_space<hbm>>
          tpu.enqueue_indirect_dma source(%dma_start3A_103 : memref<10240x128xf32, #tpu.memory_space<hbm>>) target(%run_scoped3A_0 : memref<128x128xf32, #tpu.memory_space<vmem>>) offsets(%dma_start3A_100 : memref<128xi32, #tpu.memory_space<vmem>>) semaphore(%arg9 : memref<!tpu.dma_semaphore, #tpu.memory_space<semaphore_mem>>)
        } else {
        }
      }
      %scan3A_61 = arith.constant 20 : i32
      %barrier3A_62 = arith.constant 0 : index
      tpu.barrier barrier_id(%barrier3A_62)
      %mul3A_63 = arith.constant 640 : i32
      %mul3A_64 = arith.muli %arg1, %mul3A_63 : i32
      %mul3A_65 = arith.constant 640 : i32
      %mul3A_66 = arith.muli %arg1, %mul3A_65 : i32
      "tpu.region"() ({
        %run_scoped3A_67 = tpu.sem_alloc : memref<!tpu.dma_semaphore, #tpu.memory_space<semaphore_mem>>
        %dma_start3A_68 = arith.constant 0 : i32
        %dma_start3A_69 = tpu.memref_slice %arg5[%arg0, %mul3A_66, %dma_start3A_68] : memref<2x10240x128xf32, #tpu.memory_space<hbm>> -> memref<1x640x128xf32, #tpu.memory_space<hbm>>
        %dma_start3A_70 = tpu.memref_squeeze %dma_start3A_69 : memref<1x640x128xf32, #tpu.memory_space<hbm>> -> memref<640x128xf32, #tpu.memory_space<hbm>>
        %dma_start3A_71 = arith.constant 0 : i32
        %dma_start3A_72 = tpu.memref_slice %arg10[%mul3A_64, %dma_start3A_71] : memref<10240x128xf32, #tpu.memory_space<vmem_shared>> -> memref<640x128xf32, #tpu.memory_space<vmem_shared>>
        tpu.enqueue_dma source(%dma_start3A_72 : memref<640x128xf32, #tpu.memory_space<vmem_shared>>) target(%dma_start3A_70 : memref<640x128xf32, #tpu.memory_space<hbm>>) target_semaphore(%run_scoped3A_67 : memref<!tpu.dma_semaphore, #tpu.memory_space<semaphore_mem>>)
        %dma_wait3A = arith.constant 0 : i32
        %dma_wait3A_73 = tpu.memref_slice %arg5[%arg0, %mul3A_66, %dma_wait3A] : memref<2x10240x128xf32, #tpu.memory_space<hbm>> -> memref<1x640x128xf32, #tpu.memory_space<hbm>>
        %dma_wait3A_74 = tpu.memref_squeeze %dma_wait3A_73 : memref<1x640x128xf32, #tpu.memory_space<hbm>> -> memref<640x128xf32, #tpu.memory_space<hbm>>
        %dma_wait3A_75 = arith.constant 0 : i32
        %dma_wait3A_76 = tpu.memref_slice %arg10[%mul3A_64, %dma_wait3A_75] : memref<10240x128xf32, #tpu.memory_space<vmem_shared>> -> memref<640x128xf32, #tpu.memory_space<vmem_shared>>
        tpu.wait_dma2 semaphore(%run_scoped3A_67 : memref<!tpu.dma_semaphore, #tpu.memory_space<semaphore_mem>>) src(%dma_wait3A_76 : memref<640x128xf32, #tpu.memory_space<vmem_shared>>) dst(%dma_wait3A_74 : memref<640x128xf32, #tpu.memory_space<hbm>>)
        tpu.yield
      }) : () -> ()
      tpu.yield
    }) : () -> ()
    return
  }
}

#map = affine_map<(d0, d1) -> (0, 0)>
module attributes {stable_mosaic.version = 14 : i64} {
  func.func @hist(%arg0: i32, %arg1: i32, %arg2: memref<2560x128xi32, #tpu.memory_space<hbm>>, %arg3: memref<2x10240xf32, #tpu.memory_space<hbm>>, %arg4: memref<80x128xi32, #tpu.memory_space<vmem>>, %arg5: memref<128xf32, #tpu.memory_space<vmem>>, %arg6: memref<640xf32, #tpu.memory_space<vmem>>, %arg7: memref<!tpu.dma_semaphore, #tpu.memory_space<semaphore_mem>>, %arg8: memref<10240xf32, #tpu.memory_space<vmem_shared>>) attributes {dimension_semantics = [#tpu.dimension_semantics<core_parallel>, #tpu.dimension_semantics<subcore_parallel>], iteration_bounds = array<i64: 2, 16>, scalar_prefetch = 0 : i64, scratch_operands = 5 : i64, tpu.core_type = #tpu.core_type<sc_vector_subcore>, window_params = [{transform_indices = #map}, {transform_indices = #map}]} {
    %mul3A = arith.constant 16 : i32
    %mul3A_0 = arith.muli %arg0, %mul3A : i32
    %add3A = arith.addi %mul3A_0, %arg1 : i32
    %mul3A_1 = arith.constant 80 : i32
    %mul3A_2 = arith.muli %add3A, %mul3A_1 : i32
    "tpu.region"() ({
      %run_scoped3A = tpu.sem_alloc : memref<!tpu.dma_semaphore, #tpu.memory_space<semaphore_mem>>
      %dma_start3A = arith.constant 0 : i32
      %dma_start3A_73 = tpu.memref_slice %arg2[%mul3A_2, %dma_start3A] : memref<2560x128xi32, #tpu.memory_space<hbm>> -> memref<80x128xi32, #tpu.memory_space<hbm>>
      %dma_start3A_74 = arith.constant 0 : i32
      %dma_start3A_75 = tpu.memref_slice %arg2[%mul3A_2, %dma_start3A_74] : memref<2560x128xi32, #tpu.memory_space<hbm>> -> memref<80x128xi32, #tpu.memory_space<hbm>>
      tpu.enqueue_dma source(%dma_start3A_75 : memref<80x128xi32, #tpu.memory_space<hbm>>) target(%arg4 : memref<80x128xi32, #tpu.memory_space<vmem>>) target_semaphore(%run_scoped3A : memref<!tpu.dma_semaphore, #tpu.memory_space<semaphore_mem>>)
      %dma_wait3A = arith.constant 0 : i32
      %dma_wait3A_76 = tpu.memref_slice %arg2[%mul3A_2, %dma_wait3A] : memref<2560x128xi32, #tpu.memory_space<hbm>> -> memref<80x128xi32, #tpu.memory_space<hbm>>
      %dma_wait3A_77 = arith.constant 0 : i32
      %dma_wait3A_78 = tpu.memref_slice %arg2[%mul3A_2, %dma_wait3A_77] : memref<2560x128xi32, #tpu.memory_space<hbm>> -> memref<80x128xi32, #tpu.memory_space<hbm>>
      tpu.wait_dma2 semaphore(%run_scoped3A : memref<!tpu.dma_semaphore, #tpu.memory_space<semaphore_mem>>) src(%dma_wait3A_78 : memref<80x128xi32, #tpu.memory_space<hbm>>) dst(%arg4 : memref<80x128xi32, #tpu.memory_space<vmem>>)
      tpu.yield
    }) : () -> ()
    %broadcast_in_dim3A = arith.constant 1.000000e+00 : f32
    %broadcast_in_dim3A_3 = vector.broadcast %broadcast_in_dim3A : f32 to vector<16xf32>
    %swap3A = arith.constant 0 : index
    %swap3A_4 = tpu.vector_load %arg5[%swap3A] {strides = array<i32>} : memref<128xf32, #tpu.memory_space<vmem>>, vector<16xf32>,
    %swap3A_5 = vector.shape_cast %swap3A_4 : vector<16xf32> to vector<16xf32>
    %swap3A_6 = vector.shape_cast %broadcast_in_dim3A_3 : vector<16xf32> to vector<16xf32>
    tpu.vector_store %arg5[%swap3A], %swap3A_6 {strides = array<i32>} : memref<128xf32, #tpu.memory_space<vmem>>, vector<16xf32>,
    %broadcast_in_dim3A_7 = arith.constant 1.000000e+00 : f32
    %broadcast_in_dim3A_8 = vector.broadcast %broadcast_in_dim3A_7 : f32 to vector<16xf32>
    %swap3A_9 = arith.constant 16 : index
    %swap3A_10 = tpu.vector_load %arg5[%swap3A_9] {strides = array<i32>} : memref<128xf32, #tpu.memory_space<vmem>>, vector<16xf32>,
    %swap3A_11 = vector.shape_cast %swap3A_10 : vector<16xf32> to vector<16xf32>
    %swap3A_12 = vector.shape_cast %broadcast_in_dim3A_8 : vector<16xf32> to vector<16xf32>
    tpu.vector_store %arg5[%swap3A_9], %swap3A_12 {strides = array<i32>} : memref<128xf32, #tpu.memory_space<vmem>>, vector<16xf32>,
    %broadcast_in_dim3A_13 = arith.constant 1.000000e+00 : f32
    %broadcast_in_dim3A_14 = vector.broadcast %broadcast_in_dim3A_13 : f32 to vector<16xf32>
    %swap3A_15 = arith.constant 32 : index
    %swap3A_16 = tpu.vector_load %arg5[%swap3A_15] {strides = array<i32>} : memref<128xf32, #tpu.memory_space<vmem>>, vector<16xf32>,
    %swap3A_17 = vector.shape_cast %swap3A_16 : vector<16xf32> to vector<16xf32>
    %swap3A_18 = vector.shape_cast %broadcast_in_dim3A_14 : vector<16xf32> to vector<16xf32>
    tpu.vector_store %arg5[%swap3A_15], %swap3A_18 {strides = array<i32>} : memref<128xf32, #tpu.memory_space<vmem>>, vector<16xf32>,
    %broadcast_in_dim3A_19 = arith.constant 1.000000e+00 : f32
    %broadcast_in_dim3A_20 = vector.broadcast %broadcast_in_dim3A_19 : f32 to vector<16xf32>
    %swap3A_21 = arith.constant 48 : index
    %swap3A_22 = tpu.vector_load %arg5[%swap3A_21] {strides = array<i32>} : memref<128xf32, #tpu.memory_space<vmem>>, vector<16xf32>,
    %swap3A_23 = vector.shape_cast %swap3A_22 : vector<16xf32> to vector<16xf32>
    %swap3A_24 = vector.shape_cast %broadcast_in_dim3A_20 : vector<16xf32> to vector<16xf32>
    tpu.vector_store %arg5[%swap3A_21], %swap3A_24 {strides = array<i32>} : memref<128xf32, #tpu.memory_space<vmem>>, vector<16xf32>,
    %broadcast_in_dim3A_25 = arith.constant 1.000000e+00 : f32
    %broadcast_in_dim3A_26 = vector.broadcast %broadcast_in_dim3A_25 : f32 to vector<16xf32>
    %swap3A_27 = arith.constant 64 : index
    %swap3A_28 = tpu.vector_load %arg5[%swap3A_27] {strides = array<i32>} : memref<128xf32, #tpu.memory_space<vmem>>, vector<16xf32>,
    %swap3A_29 = vector.shape_cast %swap3A_28 : vector<16xf32> to vector<16xf32>
    %swap3A_30 = vector.shape_cast %broadcast_in_dim3A_26 : vector<16xf32> to vector<16xf32>
    tpu.vector_store %arg5[%swap3A_27], %swap3A_30 {strides = array<i32>} : memref<128xf32, #tpu.memory_space<vmem>>, vector<16xf32>,
    %broadcast_in_dim3A_31 = arith.constant 1.000000e+00 : f32
    %broadcast_in_dim3A_32 = vector.broadcast %broadcast_in_dim3A_31 : f32 to vector<16xf32>
    %swap3A_33 = arith.constant 80 : index
    %swap3A_34 = tpu.vector_load %arg5[%swap3A_33] {strides = array<i32>} : memref<128xf32, #tpu.memory_space<vmem>>, vector<16xf32>,
    %swap3A_35 = vector.shape_cast %swap3A_34 : vector<16xf32> to vector<16xf32>
    %swap3A_36 = vector.shape_cast %broadcast_in_dim3A_32 : vector<16xf32> to vector<16xf32>
    tpu.vector_store %arg5[%swap3A_33], %swap3A_36 {strides = array<i32>} : memref<128xf32, #tpu.memory_space<vmem>>, vector<16xf32>,
    %broadcast_in_dim3A_37 = arith.constant 1.000000e+00 : f32
    %broadcast_in_dim3A_38 = vector.broadcast %broadcast_in_dim3A_37 : f32 to vector<16xf32>
    %swap3A_39 = arith.constant 96 : index
    %swap3A_40 = tpu.vector_load %arg5[%swap3A_39] {strides = array<i32>} : memref<128xf32, #tpu.memory_space<vmem>>, vector<16xf32>,
    %swap3A_41 = vector.shape_cast %swap3A_40 : vector<16xf32> to vector<16xf32>
    %swap3A_42 = vector.shape_cast %broadcast_in_dim3A_38 : vector<16xf32> to vector<16xf32>
    tpu.vector_store %arg5[%swap3A_39], %swap3A_42 {strides = array<i32>} : memref<128xf32, #tpu.memory_space<vmem>>, vector<16xf32>,
    %broadcast_in_dim3A_43 = arith.constant 1.000000e+00 : f32
    %broadcast_in_dim3A_44 = vector.broadcast %broadcast_in_dim3A_43 : f32 to vector<16xf32>
    %swap3A_45 = arith.constant 112 : index
    %swap3A_46 = tpu.vector_load %arg5[%swap3A_45] {strides = array<i32>} : memref<128xf32, #tpu.memory_space<vmem>>, vector<16xf32>,
    %swap3A_47 = vector.shape_cast %swap3A_46 : vector<16xf32> to vector<16xf32>
    %swap3A_48 = vector.shape_cast %broadcast_in_dim3A_44 : vector<16xf32> to vector<16xf32>
    tpu.vector_store %arg5[%swap3A_45], %swap3A_48 {strides = array<i32>} : memref<128xf32, #tpu.memory_space<vmem>>, vector<16xf32>,
    %scan3A = arith.constant 0 : i32
    %scan3A_49 = arith.constant 0 : i32
    %scan3A_50 = arith.constant 40 : i32
    %scan3A_51 = arith.addi %scan3A_49, %scan3A_50 : i32
    %scan3A_52 = arith.constant 1 : i32
    scf.for %scan3A_73 = %scan3A_49 to %scan3A_51 step %scan3A_52  : i32 {
      %broadcast_in_dim3A_74 = arith.constant 0.000000e+00 : f32
      %broadcast_in_dim3A_75 = vector.broadcast %broadcast_in_dim3A_74 : f32 to vector<16xf32>
      %mul3A_76 = arith.constant 16 : i32
      %mul3A_77 = arith.muli %scan3A_73, %mul3A_76 : i32
      %swap3A_78 = arith.index_cast %mul3A_77 : i32 to index
      %swap3A_79 = tpu.vector_load %arg6[%swap3A_78] {strides = array<i32>} : memref<640xf32, #tpu.memory_space<vmem>>, vector<16xf32>,
      %swap3A_80 = vector.shape_cast %swap3A_79 : vector<16xf32> to vector<16xf32>
      %swap3A_81 = vector.shape_cast %broadcast_in_dim3A_75 : vector<16xf32> to vector<16xf32>
      tpu.vector_store %arg6[%swap3A_78], %swap3A_81 {strides = array<i32>} : memref<640xf32, #tpu.memory_space<vmem>>, vector<16xf32>,
    }
    %scan3A_53 = arith.constant 40 : i32
    %mul3A_54 = arith.constant 640 : i32
    %mul3A_55 = arith.muli %arg1, %mul3A_54 : i32
    "tpu.region"() ({
      %run_scoped3A = tpu.sem_alloc : memref<!tpu.dma_semaphore, #tpu.memory_space<semaphore_mem>>
      %dma_start3A = tpu.memref_slice %arg8[%mul3A_55] : memref<10240xf32, #tpu.memory_space<vmem_shared>> -> memref<640xf32, #tpu.memory_space<vmem_shared>>
      %dma_start3A_73 = tpu.memref_slice %arg8[%mul3A_55] : memref<10240xf32, #tpu.memory_space<vmem_shared>> -> memref<640xf32, #tpu.memory_space<vmem_shared>>
      tpu.enqueue_dma source(%arg6 : memref<640xf32, #tpu.memory_space<vmem>>) target(%dma_start3A_73 : memref<640xf32, #tpu.memory_space<vmem_shared>>) target_semaphore(%run_scoped3A : memref<!tpu.dma_semaphore, #tpu.memory_space<semaphore_mem>>)
      %dma_wait3A = tpu.memref_slice %arg8[%mul3A_55] : memref<10240xf32, #tpu.memory_space<vmem_shared>> -> memref<640xf32, #tpu.memory_space<vmem_shared>>
      %dma_wait3A_74 = tpu.memref_slice %arg8[%mul3A_55] : memref<10240xf32, #tpu.memory_space<vmem_shared>> -> memref<640xf32, #tpu.memory_space<vmem_shared>>
      tpu.wait_dma2 semaphore(%run_scoped3A : memref<!tpu.dma_semaphore, #tpu.memory_space<semaphore_mem>>) src(%arg6 : memref<640xf32, #tpu.memory_space<vmem>>) dst(%dma_wait3A_74 : memref<640xf32, #tpu.memory_space<vmem_shared>>)
      tpu.yield
    }) : () -> ()
    %barrier3A = arith.constant 0 : index
    tpu.barrier barrier_id(%barrier3A)
    %scan3A_56 = arith.constant 0 : i32
    %scan3A_57 = arith.constant 0 : i32
    %scan3A_58 = arith.constant 80 : i32
    %scan3A_59 = arith.addi %scan3A_57, %scan3A_58 : i32
    %scan3A_60 = arith.constant 1 : i32
    scf.for %scan3A_73 = %scan3A_57 to %scan3A_59 step %scan3A_60  : i32 {
      %dma_start3A = arith.constant 0 : i32
      %dma_start3A_74 = tpu.memref_slice %arg4[%scan3A_73, %dma_start3A] : memref<80x128xi32, #tpu.memory_space<vmem>> -> memref<1x128xi32, #tpu.memory_space<vmem>>
      %dma_start3A_75 = tpu.memref_squeeze %dma_start3A_74 : memref<1x128xi32, #tpu.memory_space<vmem>> -> memref<128xi32, #tpu.memory_space<vmem>>
      %dma_start3A_76 = arith.constant 0 : i32
      %dma_start3A_77 = tpu.memref_slice %arg8[%dma_start3A_76] : memref<10240xf32, #tpu.memory_space<vmem_shared>> -> memref<10240xf32, #tpu.memory_space<vmem_shared>>
      tpu.enqueue_indirect_dma source(%arg5 : memref<128xf32, #tpu.memory_space<vmem>>) target(%dma_start3A_77 : memref<10240xf32, #tpu.memory_space<vmem_shared>>) offsets(%dma_start3A_75 : memref<128xi32, #tpu.memory_space<vmem>>) semaphore(%arg7 : memref<!tpu.dma_semaphore, #tpu.memory_space<semaphore_mem>>) {add = true}
    }
    %scan3A_61 = arith.constant 80 : i32
    %scan3A_62 = arith.constant 0 : i32
    %scan3A_63 = arith.constant 0 : i32
    %scan3A_64 = arith.constant 80 : i32
    %scan3A_65 = arith.addi %scan3A_63, %scan3A_64 : i32
    %scan3A_66 = arith.constant 1 : i32
    scf.for %scan3A_73 = %scan3A_63 to %scan3A_65 step %scan3A_66  : i32 {
      %dma_wait3A = arith.constant 0 : i32
      %dma_wait3A_74 = tpu.memref_slice %arg4[%scan3A_73, %dma_wait3A] : memref<80x128xi32, #tpu.memory_space<vmem>> -> memref<1x128xi32, #tpu.memory_space<vmem>>
      %dma_wait3A_75 = tpu.memref_squeeze %dma_wait3A_74 : memref<1x128xi32, #tpu.memory_space<vmem>> -> memref<128xi32, #tpu.memory_space<vmem>>
      %dma_wait3A_76 = arith.constant 0 : i32
      %dma_wait3A_77 = tpu.memref_slice %arg8[%dma_wait3A_76] : memref<10240xf32, #tpu.memory_space<vmem_shared>> -> memref<10240xf32, #tpu.memory_space<vmem_shared>>
      tpu.wait_indirect_dma semaphore(%arg7 : memref<!tpu.dma_semaphore, #tpu.memory_space<semaphore_mem>>) src(%arg5 : memref<128xf32, #tpu.memory_space<vmem>>) dst(%dma_wait3A_77 : memref<10240xf32, #tpu.memory_space<vmem_shared>>)
    }
    %scan3A_67 = arith.constant 80 : i32
    %barrier3A_68 = arith.constant 0 : index
    tpu.barrier barrier_id(%barrier3A_68)
    %mul3A_69 = arith.constant 640 : i32
    %mul3A_70 = arith.muli %arg1, %mul3A_69 : i32
    %mul3A_71 = arith.constant 640 : i32
    %mul3A_72 = arith.muli %arg1, %mul3A_71 : i32
    "tpu.region"() ({
      %run_scoped3A = tpu.sem_alloc : memref<!tpu.dma_semaphore, #tpu.memory_space<semaphore_mem>>
      %dma_start3A = tpu.memref_slice %arg3[%arg0, %mul3A_72] : memref<2x10240xf32, #tpu.memory_space<hbm>> -> memref<1x640xf32, #tpu.memory_space<hbm>>
      %dma_start3A_73 = tpu.memref_squeeze %dma_start3A : memref<1x640xf32, #tpu.memory_space<hbm>> -> memref<640xf32, #tpu.memory_space<hbm>>
      %dma_start3A_74 = tpu.memref_slice %arg8[%mul3A_70] : memref<10240xf32, #tpu.memory_space<vmem_shared>> -> memref<640xf32, #tpu.memory_space<vmem_shared>>
      tpu.enqueue_dma source(%dma_start3A_74 : memref<640xf32, #tpu.memory_space<vmem_shared>>) target(%dma_start3A_73 : memref<640xf32, #tpu.memory_space<hbm>>) target_semaphore(%run_scoped3A : memref<!tpu.dma_semaphore, #tpu.memory_space<semaphore_mem>>)
      %dma_wait3A = tpu.memref_slice %arg3[%arg0, %mul3A_72] : memref<2x10240xf32, #tpu.memory_space<hbm>> -> memref<1x640xf32, #tpu.memory_space<hbm>>
      %dma_wait3A_75 = tpu.memref_squeeze %dma_wait3A : memref<1x640xf32, #tpu.memory_space<hbm>> -> memref<640xf32, #tpu.memory_space<hbm>>
      %dma_wait3A_76 = tpu.memref_slice %arg8[%mul3A_70] : memref<10240xf32, #tpu.memory_space<vmem_shared>> -> memref<640xf32, #tpu.memory_space<vmem_shared>>
      tpu.wait_dma2 semaphore(%run_scoped3A : memref<!tpu.dma_semaphore, #tpu.memory_space<semaphore_mem>>) src(%dma_wait3A_76 : memref<640xf32, #tpu.memory_space<vmem_shared>>) dst(%dma_wait3A_75 : memref<640xf32, #tpu.memory_space<hbm>>)
      tpu.yield
    }) : () -> ()
    return
  }
}

module attributes {stable_mosaic.version = 14 : i64} {
  func.func @_prep_body(%arg0: i32, %arg1: memref<2x2048xf32, #tpu.memory_space<vmem>>, %arg2: memref<2048x128xf32, #tpu.memory_space<vmem>>, %arg3: memref<2048x1xf32, #tpu.memory_space<vmem>>, %arg4: memref<2048x128xf32, #tpu.memory_space<vmem>>) attributes {dimension_semantics = [#tpu.dimension_semantics<arbitrary>], iteration_bounds = array<i64: 5>, scalar_prefetch = 0 : i64, scratch_operands = 0 : i64, tpu.core_type = #tpu.core_type<tc>, window_params = [{transform_indices = @transform_0, window_bounds = array<i64: 2, 2048>}, {transform_indices = @transform_1, window_bounds = array<i64: 2048, 128>}, {transform_indices = @transform_2, window_bounds = array<i64: 2048, 1>}, {transform_indices = @transform_3, window_bounds = array<i64: 2048, 128>}]} {
    %get3A = arith.constant 0 : index
    %get3A_0 = arith.constant 0 : index
    %get3A_1 = vector.load %arg1[%get3A, %get3A_0] : memref<2x2048xf32, #tpu.memory_space<vmem>>, vector<1x2048xf32>
    %get3A_2 = vector.shape_cast %get3A_1 : vector<1x2048xf32> to vector<2048xf32>
    %get3A_3 = arith.constant 1 : index
    %get3A_4 = arith.constant 0 : index
    %get3A_5 = vector.load %arg1[%get3A_3, %get3A_4] : memref<2x2048xf32, #tpu.memory_space<vmem>>, vector<1x2048xf32>
    %get3A_6 = vector.shape_cast %get3A_5 : vector<1x2048xf32> to vector<2048xf32>
    %add3A = arith.addf %get3A_2, %get3A_6 : vector<2048xf32>
    %gt3A = arith.constant 0.000000e+00 : f32
    %gt3A_7 = vector.broadcast %gt3A : f32 to vector<2048xf32>
    %gt3A_8 = arith.cmpf ogt, %add3A, %gt3A_7 : vector<2048xf32>
    %rsqrt3A = math.rsqrt %add3A : vector<2048xf32>
    %jit3A = arith.constant 0.000000e+00 : f32
    %broadcast_in_dim3A = vector.broadcast %jit3A : f32 to vector<2048xf32>
    %select_n3A = arith.select %gt3A_8, %rsqrt3A, %broadcast_in_dim3A : vector<2048xi1>, vector<2048xf32>
    %broadcast_in_dim3A_9 = vector.shape_cast %select_n3A : vector<2048xf32> to vector<2048x1xf32>
    %swap3A = arith.constant 0 : index
    %swap3A_10 = arith.constant 0 : index
    %swap3A_11 = vector.load %arg3[%swap3A, %swap3A_10] : memref<2048x1xf32, #tpu.memory_space<vmem>>, vector<2048x1xf32>
    tpu.vector_store %arg3[%swap3A, %swap3A_10], %broadcast_in_dim3A_9 {strides = array<i32>} : memref<2048x1xf32, #tpu.memory_space<vmem>>, vector<2048x1xf32>,
    %get3A_12 = arith.constant 0 : index
    %get3A_13 = arith.constant 0 : index
    %get3A_14 = vector.load %arg2[%get3A_12, %get3A_13] : memref<2048x128xf32, #tpu.memory_space<vmem>>, vector<2048x128xf32>
    %mul3A = vector.broadcast %broadcast_in_dim3A_9 : vector<2048x1xf32> to vector<2048x128xf32>
    %mul3A_15 = arith.mulf %mul3A, %get3A_14 : vector<2048x128xf32>
    %swap3A_16 = arith.constant 0 : index
    %swap3A_17 = arith.constant 0 : index
    %swap3A_18 = vector.load %arg4[%swap3A_16, %swap3A_17] : memref<2048x128xf32, #tpu.memory_space<vmem>>, vector<2048x128xf32>
    tpu.vector_store %arg4[%swap3A_16, %swap3A_17], %mul3A_15 {strides = array<i32>} : memref<2048x128xf32, #tpu.memory_space<vmem>>, vector<2048x128xf32>,
    return
  }
  func.func @transform_0(%arg0: i32) -> (i32, i32) {
    %c0_i32 = arith.constant 0 : i32
    %c0_i32_0 = arith.constant 0 : i32
    return %c0_i32, %arg0 : i32, i32
  }
  func.func @transform_1(%arg0: i32) -> (i32, i32) {
    %c0_i32 = arith.constant 0 : i32
    %c0_i32_0 = arith.constant 0 : i32
    return %arg0, %c0_i32 : i32, i32
  }
  func.func @transform_2(%arg0: i32) -> (i32, i32) {
    %c0_i32 = arith.constant 0 : i32
    %c0_i32_0 = arith.constant 0 : i32
    return %arg0, %c0_i32 : i32, i32
  }
  func.func @transform_3(%arg0: i32) -> (i32, i32) {
    %c0_i32 = arith.constant 0 : i32
    %c0_i32_0 = arith.constant 0 : i32
    return %arg0, %c0_i32 : i32, i32
  }
}

module attributes {stable_mosaic.version = 14 : i64} {
  func.func @_xw_body(%arg0: i32, %arg1: memref<2048x128xf32, #tpu.memory_space<vmem>>, %arg2: memref<2048x4xf32, #tpu.memory_space<vmem>>, %arg3: memref<4x256x128xf32, #tpu.memory_space<vmem>>, %arg4: memref<2048x128xf32, #tpu.memory_space<vmem>>) attributes {dimension_semantics = [#tpu.dimension_semantics<arbitrary>], iteration_bounds = array<i64: 5>, scalar_prefetch = 0 : i64, scratch_operands = 0 : i64, tpu.core_type = #tpu.core_type<tc>, window_params = [{transform_indices = @transform_0, window_bounds = array<i64: 2048, 128>}, {transform_indices = @transform_1, window_bounds = array<i64: 2048, 4>}, {pipeline_mode = #tpu.pipeline_mode<synchronous>, transform_indices = @transform_2, window_bounds = array<i64: 4, 256, 128>}, {transform_indices = @transform_3, window_bounds = array<i64: 2048, 128>}]} {
    %get3A = arith.constant 0 : index
    %get3A_0 = arith.constant 0 : index
    %get3A_1 = vector.load %arg1[%get3A, %get3A_0] : memref<2048x128xf32, #tpu.memory_space<vmem>>, vector<2048x128xf32>
    %get3A_2 = arith.constant 0 : index
    %get3A_3 = arith.constant 0 : index
    %get3A_4 = arith.constant 0 : index
    %get3A_5 = vector.load %arg3[%get3A_2, %get3A_3, %get3A_4] : memref<4x256x128xf32, #tpu.memory_space<vmem>>, vector<4x256x128xf32>
    %get3A_6 = arith.constant 0 : index
    %get3A_7 = arith.constant 0 : index
    %get3A_8 = vector.load %arg2[%get3A_6, %get3A_7] : memref<2048x4xf32, #tpu.memory_space<vmem>>, vector<2048x4xf32>
    %slice3A = vector.extract_strided_slice %get3A_5 {offsets = [0, 128, 0], sizes = [1, 128, 128], strides = [1, 1, 1]} : vector<4x256x128xf32> to vector<1x128x128xf32>
    %squeeze3A = vector.shape_cast %slice3A : vector<1x128x128xf32> to vector<128x128xf32>
    %dot_general3A = arith.constant dense<0.000000e+00> : vector<2048x128xf32>
    %dot_general3A_9 = tpu.matmul %get3A_1, %squeeze3A, %dot_general3A {dimension_numbers = #tpu.dot_dimension_numbers<[1], [0], [0], [1], [0, 0, 1, 1], [], []>, transpose_lhs_hint = false} : vector<2048x128xf32>, vector<128x128xf32>, vector<2048x128xf32> -> vector<2048x128xf32>
    %slice3A_10 = vector.extract_strided_slice %get3A_8 {offsets = [0, 0], sizes = [2048, 1], strides = [1, 1]} : vector<2048x4xf32> to vector<2048x1xf32>
    %mul3A = vector.broadcast %slice3A_10 : vector<2048x1xf32> to vector<2048x128xf32>
    %mul3A_11 = arith.mulf %mul3A, %dot_general3A_9 : vector<2048x128xf32>
    %add3A = arith.addf %get3A_1, %mul3A_11 : vector<2048x128xf32>
    %slice3A_12 = vector.extract_strided_slice %get3A_5 {offsets = [1, 128, 0], sizes = [1, 128, 128], strides = [1, 1, 1]} : vector<4x256x128xf32> to vector<1x128x128xf32>
    %squeeze3A_13 = vector.shape_cast %slice3A_12 : vector<1x128x128xf32> to vector<128x128xf32>
    %dot_general3A_14 = arith.constant dense<0.000000e+00> : vector<2048x128xf32>
    %dot_general3A_15 = tpu.matmul %get3A_1, %squeeze3A_13, %dot_general3A_14 {dimension_numbers = #tpu.dot_dimension_numbers<[1], [0], [0], [1], [0, 0, 1, 1], [], []>, transpose_lhs_hint = false} : vector<2048x128xf32>, vector<128x128xf32>, vector<2048x128xf32> -> vector<2048x128xf32>
    %slice3A_16 = vector.extract_strided_slice %get3A_8 {offsets = [0, 1], sizes = [2048, 1], strides = [1, 1]} : vector<2048x4xf32> to vector<2048x1xf32>
    %mul3A_17 = vector.broadcast %slice3A_16 : vector<2048x1xf32> to vector<2048x128xf32>
    %mul3A_18 = arith.mulf %mul3A_17, %dot_general3A_15 : vector<2048x128xf32>
    %add3A_19 = arith.addf %add3A, %mul3A_18 : vector<2048x128xf32>
    %slice3A_20 = vector.extract_strided_slice %get3A_5 {offsets = [2, 128, 0], sizes = [1, 128, 128], strides = [1, 1, 1]} : vector<4x256x128xf32> to vector<1x128x128xf32>
    %squeeze3A_21 = vector.shape_cast %slice3A_20 : vector<1x128x128xf32> to vector<128x128xf32>
    %dot_general3A_22 = arith.constant dense<0.000000e+00> : vector<2048x128xf32>
    %dot_general3A_23 = tpu.matmul %get3A_1, %squeeze3A_21, %dot_general3A_22 {dimension_numbers = #tpu.dot_dimension_numbers<[1], [0], [0], [1], [0, 0, 1, 1], [], []>, transpose_lhs_hint = false} : vector<2048x128xf32>, vector<128x128xf32>, vector<2048x128xf32> -> vector<2048x128xf32>
    %slice3A_24 = vector.extract_strided_slice %get3A_8 {offsets = [0, 2], sizes = [2048, 1], strides = [1, 1]} : vector<2048x4xf32> to vector<2048x1xf32>
    %mul3A_25 = vector.broadcast %slice3A_24 : vector<2048x1xf32> to vector<2048x128xf32>
    %mul3A_26 = arith.mulf %mul3A_25, %dot_general3A_23 : vector<2048x128xf32>
    %add3A_27 = arith.addf %add3A_19, %mul3A_26 : vector<2048x128xf32>
    %slice3A_28 = vector.extract_strided_slice %get3A_5 {offsets = [3, 128, 0], sizes = [1, 128, 128], strides = [1, 1, 1]} : vector<4x256x128xf32> to vector<1x128x128xf32>
    %squeeze3A_29 = vector.shape_cast %slice3A_28 : vector<1x128x128xf32> to vector<128x128xf32>
    %dot_general3A_30 = arith.constant dense<0.000000e+00> : vector<2048x128xf32>
    %dot_general3A_31 = tpu.matmul %get3A_1, %squeeze3A_29, %dot_general3A_30 {dimension_numbers = #tpu.dot_dimension_numbers<[1], [0], [0], [1], [0, 0, 1, 1], [], []>, transpose_lhs_hint = false} : vector<2048x128xf32>, vector<128x128xf32>, vector<2048x128xf32> -> vector<2048x128xf32>
    %slice3A_32 = vector.extract_strided_slice %get3A_8 {offsets = [0, 3], sizes = [2048, 1], strides = [1, 1]} : vector<2048x4xf32> to vector<2048x1xf32>
    %mul3A_33 = vector.broadcast %slice3A_32 : vector<2048x1xf32> to vector<2048x128xf32>
    %mul3A_34 = arith.mulf %mul3A_33, %dot_general3A_31 : vector<2048x128xf32>
    %add3A_35 = arith.addf %add3A_27, %mul3A_34 : vector<2048x128xf32>
    %swap3A = arith.constant 0 : index
    %swap3A_36 = arith.constant 0 : index
    %swap3A_37 = vector.load %arg4[%swap3A, %swap3A_36] : memref<2048x128xf32, #tpu.memory_space<vmem>>, vector<2048x128xf32>
    tpu.vector_store %arg4[%swap3A, %swap3A_36], %add3A_35 {strides = array<i32>} : memref<2048x128xf32, #tpu.memory_space<vmem>>, vector<2048x128xf32>,
    return
  }
  func.func @transform_0(%arg0: i32) -> (i32, i32) {
    %c0_i32 = arith.constant 0 : i32
    %c0_i32_0 = arith.constant 0 : i32
    return %arg0, %c0_i32 : i32, i32
  }
  func.func @transform_1(%arg0: i32) -> (i32, i32) {
    %c0_i32 = arith.constant 0 : i32
    %c0_i32_0 = arith.constant 0 : i32
    return %arg0, %c0_i32 : i32, i32
  }
  func.func @transform_2(%arg0: i32) -> (i32, i32, i32) {
    %c0_i32 = arith.constant 0 : i32
    %c0_i32_0 = arith.constant 0 : i32
    %c0_i32_1 = arith.constant 0 : i32
    %c0_i32_2 = arith.constant 0 : i32
    return %c0_i32, %c0_i32_0, %c0_i32_1 : i32, i32, i32
  }
  func.func @transform_3(%arg0: i32) -> (i32, i32) {
    %c0_i32 = arith.constant 0 : i32
    %c0_i32_0 = arith.constant 0 : i32
    return %arg0, %c0_i32 : i32, i32
  }
}

module attributes {stable_mosaic.version = 14 : i64} {
  func.func @_final_body(%arg0: i32, %arg1: memref<2048x128xf32, #tpu.memory_space<vmem>>, %arg2: memref<2x2048x128xf32, #tpu.memory_space<vmem>>, %arg3: memref<2048x1xf32, #tpu.memory_space<vmem>>, %arg4: memref<2048x4xf32, #tpu.memory_space<vmem>>, %arg5: memref<4x256x128xf32, #tpu.memory_space<vmem>>, %arg6: memref<2048x128xf32, #tpu.memory_space<vmem>>) attributes {dimension_semantics = [#tpu.dimension_semantics<arbitrary>], iteration_bounds = array<i64: 5>, scalar_prefetch = 0 : i64, scratch_operands = 0 : i64, tpu.core_type = #tpu.core_type<tc>, window_params = [{transform_indices = @transform_0, window_bounds = array<i64: 2048, 128>}, {transform_indices = @transform_1, window_bounds = array<i64: 2, 2048, 128>}, {transform_indices = @transform_2, window_bounds = array<i64: 2048, 1>}, {transform_indices = @transform_3, window_bounds = array<i64: 2048, 4>}, {pipeline_mode = #tpu.pipeline_mode<synchronous>, transform_indices = @transform_4, window_bounds = array<i64: 4, 256, 128>}, {transform_indices = @transform_5, window_bounds = array<i64: 2048, 128>}]} {
    %get3A = arith.constant 0 : index
    %get3A_0 = arith.constant 0 : index
    %get3A_1 = vector.load %arg3[%get3A, %get3A_0] : memref<2048x1xf32, #tpu.memory_space<vmem>>, vector<2048x1xf32>
    %get3A_2 = arith.constant 0 : index
    %get3A_3 = arith.constant 0 : index
    %get3A_4 = arith.constant 0 : index
    %get3A_5 = vector.load %arg2[%get3A_2, %get3A_3, %get3A_4] : memref<2x2048x128xf32, #tpu.memory_space<vmem>>, vector<1x2048x128xf32>
    %get3A_6 = vector.shape_cast %get3A_5 : vector<1x2048x128xf32> to vector<2048x128xf32>
    %get3A_7 = arith.constant 1 : index
    %get3A_8 = arith.constant 0 : index
    %get3A_9 = arith.constant 0 : index
    %get3A_10 = vector.load %arg2[%get3A_7, %get3A_8, %get3A_9] : memref<2x2048x128xf32, #tpu.memory_space<vmem>>, vector<1x2048x128xf32>
    %get3A_11 = vector.shape_cast %get3A_10 : vector<1x2048x128xf32> to vector<2048x128xf32>
    %add3A = arith.addf %get3A_6, %get3A_11 : vector<2048x128xf32>
    %mul3A = vector.broadcast %get3A_1 : vector<2048x1xf32> to vector<2048x128xf32>
    %mul3A_12 = arith.mulf %mul3A, %add3A : vector<2048x128xf32>
    %get3A_13 = arith.constant 0 : index
    %get3A_14 = arith.constant 0 : index
    %get3A_15 = arith.constant 0 : index
    %get3A_16 = vector.load %arg5[%get3A_13, %get3A_14, %get3A_15] : memref<4x256x128xf32, #tpu.memory_space<vmem>>, vector<4x256x128xf32>
    %get3A_17 = arith.constant 0 : index
    %get3A_18 = arith.constant 0 : index
    %get3A_19 = vector.load %arg4[%get3A_17, %get3A_18] : memref<2048x4xf32, #tpu.memory_space<vmem>>, vector<2048x4xf32>
    %get3A_20 = arith.constant 0 : index
    %get3A_21 = arith.constant 0 : index
    %get3A_22 = vector.load %arg1[%get3A_20, %get3A_21] : memref<2048x128xf32, #tpu.memory_space<vmem>>, vector<2048x128xf32>
    %slice3A = vector.extract_strided_slice %get3A_16 {offsets = [0, 0, 0], sizes = [1, 128, 128], strides = [1, 1, 1]} : vector<4x256x128xf32> to vector<1x128x128xf32>
    %squeeze3A = vector.shape_cast %slice3A : vector<1x128x128xf32> to vector<128x128xf32>
    %dot_general3A = arith.constant dense<0.000000e+00> : vector<2048x128xf32>
    %dot_general3A_23 = tpu.matmul %mul3A_12, %squeeze3A, %dot_general3A {dimension_numbers = #tpu.dot_dimension_numbers<[1], [0], [0], [1], [0, 0, 1, 1], [], []>, transpose_lhs_hint = false} : vector<2048x128xf32>, vector<128x128xf32>, vector<2048x128xf32> -> vector<2048x128xf32>
    %slice3A_24 = vector.extract_strided_slice %get3A_19 {offsets = [0, 0], sizes = [2048, 1], strides = [1, 1]} : vector<2048x4xf32> to vector<2048x1xf32>
    %mul3A_25 = vector.broadcast %slice3A_24 : vector<2048x1xf32> to vector<2048x128xf32>
    %mul3A_26 = arith.mulf %mul3A_25, %dot_general3A_23 : vector<2048x128xf32>
    %add3A_27 = arith.addf %get3A_22, %mul3A_26 : vector<2048x128xf32>
    %slice3A_28 = vector.extract_strided_slice %get3A_16 {offsets = [1, 0, 0], sizes = [1, 128, 128], strides = [1, 1, 1]} : vector<4x256x128xf32> to vector<1x128x128xf32>
    %squeeze3A_29 = vector.shape_cast %slice3A_28 : vector<1x128x128xf32> to vector<128x128xf32>
    %dot_general3A_30 = arith.constant dense<0.000000e+00> : vector<2048x128xf32>
    %dot_general3A_31 = tpu.matmul %mul3A_12, %squeeze3A_29, %dot_general3A_30 {dimension_numbers = #tpu.dot_dimension_numbers<[1], [0], [0], [1], [0, 0, 1, 1], [], []>, transpose_lhs_hint = false} : vector<2048x128xf32>, vector<128x128xf32>, vector<2048x128xf32> -> vector<2048x128xf32>
    %slice3A_32 = vector.extract_strided_slice %get3A_19 {offsets = [0, 1], sizes = [2048, 1], strides = [1, 1]} : vector<2048x4xf32> to vector<2048x1xf32>
    %mul3A_33 = vector.broadcast %slice3A_32 : vector<2048x1xf32> to vector<2048x128xf32>
    %mul3A_34 = arith.mulf %mul3A_33, %dot_general3A_31 : vector<2048x128xf32>
    %add3A_35 = arith.addf %add3A_27, %mul3A_34 : vector<2048x128xf32>
    %slice3A_36 = vector.extract_strided_slice %get3A_16 {offsets = [2, 0, 0], sizes = [1, 128, 128], strides = [1, 1, 1]} : vector<4x256x128xf32> to vector<1x128x128xf32>
    %squeeze3A_37 = vector.shape_cast %slice3A_36 : vector<1x128x128xf32> to vector<128x128xf32>
    %dot_general3A_38 = arith.constant dense<0.000000e+00> : vector<2048x128xf32>
    %dot_general3A_39 = tpu.matmul %mul3A_12, %squeeze3A_37, %dot_general3A_38 {dimension_numbers = #tpu.dot_dimension_numbers<[1], [0], [0], [1], [0, 0, 1, 1], [], []>, transpose_lhs_hint = false} : vector<2048x128xf32>, vector<128x128xf32>, vector<2048x128xf32> -> vector<2048x128xf32>
    %slice3A_40 = vector.extract_strided_slice %get3A_19 {offsets = [0, 2], sizes = [2048, 1], strides = [1, 1]} : vector<2048x4xf32> to vector<2048x1xf32>
    %mul3A_41 = vector.broadcast %slice3A_40 : vector<2048x1xf32> to vector<2048x128xf32>
    %mul3A_42 = arith.mulf %mul3A_41, %dot_general3A_39 : vector<2048x128xf32>
    %add3A_43 = arith.addf %add3A_35, %mul3A_42 : vector<2048x128xf32>
    %slice3A_44 = vector.extract_strided_slice %get3A_16 {offsets = [3, 0, 0], sizes = [1, 128, 128], strides = [1, 1, 1]} : vector<4x256x128xf32> to vector<1x128x128xf32>
    %squeeze3A_45 = vector.shape_cast %slice3A_44 : vector<1x128x128xf32> to vector<128x128xf32>
    %dot_general3A_46 = arith.constant dense<0.000000e+00> : vector<2048x128xf32>
    %dot_general3A_47 = tpu.matmul %mul3A_12, %squeeze3A_45, %dot_general3A_46 {dimension_numbers = #tpu.dot_dimension_numbers<[1], [0], [0], [1], [0, 0, 1, 1], [], []>, transpose_lhs_hint = false} : vector<2048x128xf32>, vector<128x128xf32>, vector<2048x128xf32> -> vector<2048x128xf32>
    %slice3A_48 = vector.extract_strided_slice %get3A_19 {offsets = [0, 3], sizes = [2048, 1], strides = [1, 1]} : vector<2048x4xf32> to vector<2048x1xf32>
    %mul3A_49 = vector.broadcast %slice3A_48 : vector<2048x1xf32> to vector<2048x128xf32>
    %mul3A_50 = arith.mulf %mul3A_49, %dot_general3A_47 : vector<2048x128xf32>
    %add3A_51 = arith.addf %add3A_43, %mul3A_50 : vector<2048x128xf32>
    %swap3A = arith.constant 0 : index
    %swap3A_52 = arith.constant 0 : index
    %swap3A_53 = vector.load %arg6[%swap3A, %swap3A_52] : memref<2048x128xf32, #tpu.memory_space<vmem>>, vector<2048x128xf32>
    tpu.vector_store %arg6[%swap3A, %swap3A_52], %add3A_51 {strides = array<i32>} : memref<2048x128xf32, #tpu.memory_space<vmem>>, vector<2048x128xf32>,
    return
  }
  func.func @transform_0(%arg0: i32) -> (i32, i32) {
    %c0_i32 = arith.constant 0 : i32
    %c0_i32_0 = arith.constant 0 : i32
    return %arg0, %c0_i32 : i32, i32
  }
  func.func @transform_1(%arg0: i32) -> (i32, i32, i32) {
    %c0_i32 = arith.constant 0 : i32
    %c0_i32_0 = arith.constant 0 : i32
    %c0_i32_1 = arith.constant 0 : i32
    return %c0_i32, %arg0, %c0_i32_0 : i32, i32, i32
  }
  func.func @transform_2(%arg0: i32) -> (i32, i32) {
    %c0_i32 = arith.constant 0 : i32
    %c0_i32_0 = arith.constant 0 : i32
    return %arg0, %c0_i32 : i32, i32
  }
  func.func @transform_3(%arg0: i32) -> (i32, i32) {
    %c0_i32 = arith.constant 0 : i32
    %c0_i32_0 = arith.constant 0 : i32
    return %arg0, %c0_i32 : i32, i32
  }
  func.func @transform_4(%arg0: i32) -> (i32, i32, i32) {
    %c0_i32 = arith.constant 0 : i32
    %c0_i32_0 = arith.constant 0 : i32
    %c0_i32_1 = arith.constant 0 : i32
    %c0_i32_2 = arith.constant 0 : i32
    return %c0_i32, %c0_i32_0, %c0_i32_1 : i32, i32, i32
  }
  func.func @transform_5(%arg0: i32) -> (i32, i32) {
    %c0_i32 = arith.constant 0 : i32
    %c0_i32_0 = arith.constant 0 : i32
    return %arg0, %c0_i32 : i32, i32
  }
}

</mosaic_0001>

<sc_bundles>
// kernel: kernel.10.cloned.1.call-start
scs
__scs_entry_jumppad:
0x0: {  	(pc) =	sbr.rel $0x88, $3  }
0x1: {  	(tag) =	ssettag $0x0;
	lr =	simm.s32 $0x1  }
0x2: {  	[smem:$0x3F9D] =	sst lr;
	_ =	strace $0xD0000000  }
0x3: {  	_ = 	snop  }
0x4: {  	_ = 	snop  }
0x5: {  	_ = 	snop  }
0x6: {  	_ = 	snop  }
0x7: {  	_ = 	snop  }
__scs_overlays_trampoline_lowered:
0x8: {  	[smem:$0x3FAC] =	sst s0  }
0x9: {  	[smem:$0x3FAD] =	sst s1  }
0xa: {  	[smem:$0x3FAE] =	sst s2  }
0xb: {  	[smem:$0x3FAF] =	sst s3  }
0xc: {  	[smem:$0x3FB0] =	sst s4  }
0xd: {  	[smem:$0x3FB1] =	sst s5  }
0xe: {  	[smem:$0x3FB2] =	sst s6  }
0xf: {  	[smem:$0x3FB3] =	sst s7  }
0x10: {  	[smem:$0x3FB4] =	sst s8  }
0x11: {  	[smem:$0x3FB5] =	sst s9;
	s0 =	simm.s32 @!p0 $0x0  }
0x12: {  	s1 =	sld [smem:$0x3F9B];
	s0 =	simm.s32 @p0 $0x1  }
0x13: {  	[smem:$0x3FB6] =	sst s0;
	s0 =	simm.s32 @!p1 $0x0  }
0x14: {  	s2 =	sld [smem:$0x3F9A];
	s0 =	simm.s32 @p1 $0x1  }
0x15: {  	[smem:$0x3FB7] =	sst s0;
	s0 =	simm.s32 @!p2 $0x0  }
0x16: {  	s3 =	sld [smem:$0x3FDB];
	s0 =	simm.s32 @p2 $0x1  }
0x17: {  	s4 =	simm.s32 $0x1BF5;
	[smem:$0x3FB9] =	sst s0  }
0x18: {  	s0 =	sld [smem:$0x3F9C];
	_ =	swait.ge [sflag:s4], $0x0  }
0x19: {  	s7 =	sld [smem:$0x3F9D]  }
0x1a: {  	s8 =	sadd.s32 $0xFFFFE003, lr  }
0x1b: {  	s9 =	sadd.s32 $0xFFFFFEF7, lr;
	s5 =	simm.s32 $0xFFFFFFFF;
	p2 =	slt.u32 s8, $0xFFFFF086  }
0x1c: {  	p1 =	slt.u32 s9, $0xF7A;
	s5 =	simm.s32 @!p2 $0x0  }
0x1d: {  	s5 =	simm.s32 @p1 $0x1;
	p0 =	seq.s32 s7, s2  }
0x1e: {  	s7 =	smul.u32 @!p0 $0xF7A, s2;
	p2 =	seq.s32 @!p0 s5, $0x0  }
0x1f: {  	s9 =	smul.u32 $0xF7A, s1;
	s8 =	simm.s32 @!p0 $0x1BF5;
	p2 =	por !p2, p0  }
0x20: {  	[sflag:s8] =	ssyncset.s32 @!p0 $0xFFFFF086;
	s6 =	sadd.s32 @!p0 s3, s7;
	s7 =	simm.s32 @!p0 $0x108  }
0x21: {  	s3 =	sadd.s32 s3, s9;
	s6 =	sadd.s32 @!p0 $0x88, s6;
	s7 =	simm.s32 @p2 $0x1082  }
0x22: {  	[simem:s7], [sflag:s8] =	dma.local @!p0 [hbm:s6], $0xF7A  }
0x23: {  	s9 =	sor.u32 $0xD0000000, s2;
	s6 =	simm.s32 $0x108;
	_ =	swait.ge @!p0 [sflag:s8], $0x0  }
0x24: {  	s3 =	sadd.s32 $0x88, s3;
	s6 =	simm.s32 @!p1 $0x1082;
	[sflag:s4] =	ssyncset.s32 $0xFFFFF086  }
0x25: {  	[simem:s6], [sflag:s4] =	dma.local [hbm:s3], $0xF7A  }
0x26: {  	[smem:$0x3F9D] =	sst s1;
	(tag) =	ssettag s2;
	_ =	strace s9  }
0x27: {  	s1 =	sld [smem:$0x3FAD]  }
0x28: {  	s2 =	sld [smem:$0x3FAE]  }
0x29: {  	s4 =	sld [smem:$0x3FB0]  }
0x2a: {  	p0 =	seq.s32 s5, $0x0;
	s5 =	sld [smem:$0x3FB1]  }
0x2b: {  	s6 =	sld [smem:$0x3FB2]  }
0x2c: {  	s7 =	sld [smem:$0x3FB3]  }
0x2d: {  	s3 =	simm.s32 $0x108;
	s8 =	sld [smem:$0x3FB4]  }
0x2e: {  	s3 =	simm.s32 @!p0 $0x1082;
	s9 =	sld [smem:$0x3FB5]  }
0x2f: {  	lr =	sadd.s32 s0, s3;
	s0 =	sld [smem:$0x3FAC]  }
0x30: {  	s3 =	sld [smem:$0x3FAF]  }
0x31: {  	[smem:$0x3FB8] =	sst s10  }
0x32: {  	s10 =	sld [smem:$0x3FB6];
	_ =	sdelay $0x3  }
0x33: {  	p0 =	seq.s32 s10, $0x1;
	s10 =	sld [smem:$0x3FB8];
	_ =	sdelay $0x3  }
0x34: {  	[smem:$0x3FB8] =	sst s10  }
0x35: {  	s10 =	sld [smem:$0x3FB7];
	_ =	sdelay $0x3  }
0x36: {  	p1 =	seq.s32 s10, $0x1;
	s10 =	sld [smem:$0x3FB8];
	_ =	sdelay $0x3  }
0x37: {  	[smem:$0x3FB8] =	sst s10  }
0x38: {  	s10 =	sld [smem:$0x3FB9]  }
0x39: {  	_ = 	snop;
	(pc) =	sbr.ind lr, $3  }
0x3a: {  	_ = 	snop  }
0x3b: {  	_ = 	snop  }
0x3c: {  	p2 =	seq.s32 s10, $0x1;
	s10 =	sld [smem:$0x3FB8]  }
0x3d: {  	_ =	shalt  }
0x3e: {  	_ =	shalt  }
0x3f: {  	_ =	shalt  }
0x40: {  	_ =	shalt  }
0x41: {  	_ =	shalt  }
0x42: {  	_ =	shalt  }
0x43: {  	_ =	shalt  }
0x44: {  	_ =	shalt  }
0x45: {  	_ =	shalt  }
0x46: {  	_ =	shalt  }
0x47: {  	_ =	shalt  }
0x48: {  	_ =	shalt  }
0x49: {  	_ =	shalt  }
0x4a: {  	_ =	shalt  }
0x4b: {  	_ =	shalt  }
0x4c: {  	_ =	shalt  }
0x4d: {  	_ =	shalt  }
0x4e: {  	_ =	shalt  }
0x4f: {  	_ =	shalt  }
0x50: {  	_ =	shalt  }
0x51: {  	_ =	shalt  }
0x52: {  	_ =	shalt  }
0x53: {  	_ =	shalt  }
0x54: {  	_ =	shalt  }
0x55: {  	_ =	shalt  }
0x56: {  	_ =	shalt  }
0x57: {  	_ =	shalt  }
0x58: {  	_ =	shalt  }
0x59: {  	_ =	shalt  }
0x5a: {  	_ =	shalt  }
0x5b: {  	_ =	shalt  }
0x5c: {  	_ =	shalt  }
0x5d: {  	_ =	shalt  }
0x5e: {  	_ =	shalt  }
0x5f: {  	_ =	shalt  }
0x60: {  	_ =	shalt  }
0x61: {  	_ =	shalt  }
0x62: {  	_ =	shalt  }
0x63: {  	_ =	shalt  }
0x64: {  	_ =	shalt  }
0x65: {  	_ =	shalt  }
0x66: {  	_ =	shalt  }
0x67: {  	_ =	shalt  }
0x68: {  	_ =	shalt  }
0x69: {  	_ =	shalt  }
0x6a: {  	_ =	shalt  }
0x6b: {  	_ =	shalt  }
0x6c: {  	_ =	shalt  }
0x6d: {  	_ =	shalt  }
0x6e: {  	_ =	shalt  }
0x6f: {  	_ =	shalt  }
0x70: {  	_ =	shalt  }
0x71: {  	_ =	shalt  }
0x72: {  	_ =	shalt  }
0x73: {  	_ =	shalt  }
0x74: {  	_ =	shalt  }
0x75: {  	_ =	shalt  }
0x76: {  	_ =	shalt  }
0x77: {  	_ =	shalt  }
0x78: {  	_ =	shalt  }
0x79: {  	_ =	shalt  }
0x7a: {  	_ =	shalt  }
0x7b: {  	_ =	shalt  }
0x7c: {  	_ =	shalt  }
0x7d: {  	_ =	shalt  }
0x7e: {  	_ =	shalt  }
0x7f: {  	_ =	shalt  }
0x80: {  	_ =	shalt  }
0x81: {  	_ =	shalt  }
0x82: {  	_ =	shalt  }
0x83: {  	_ =	shalt  }
0x84: {  	_ =	shalt  }
0x85: {  	_ =	shalt  }
0x86: {  	_ =	shalt  }
0x87: {  	_ =	shalt  }
.Lfunc_end0:
.L_simem_size_0:
called_computation.1_lowered:
.L_overlay_start_0:
0x88: {  	s2 =	sld [smem:$0x3FD9]  }
0x89: {  	s3 =	sld [smem:$0x3FFE];
	_ =	sdelay $0x1  }
0x8a: {  	s1 =	srdreg.scid  }
0x8b: {  	s0 =	sand.u32 $0x1, s1  }
0x8c: {  	s17 =	sshll.u32 s0, $0xA;
	s2 =	sadd.s32 s3, s2  }
0x8d: {  	s2 =	sadd.s32 s2, s17  }
0x8e: {  	[smem:$0x3FC4] =	sst s2  }
0x8f: {  	_ = 	snop  }
0x90: {  	s2 =	sld [smem:$0x3FD0];
	(tm) =	ssettm $0x1  }
0x91: {  	s18 =	sld [smem:$0x3FFB];
	_ =	sdelay $0x3  }
0x92: {  	_ =	strace s18  }
0x93: {  	s3 =	sld [smem:$0x3FFC];
	_ =	sdelay $0x3  }
0x94: {  	_ =	strace s3  }
0x95: {  	s3 =	sld [smem:$0x3FFD];
	_ =	sdelay $0x3  }
0x96: {  	_ =	strace s3  }
0x97: {  	_ =	strace $0x8FFFFFFF  }
0x98: {  	s19 =	sld [smem:$0x3FDB];
	_ =	sdelay $0x1  }
0x99: {  	s4 =	simm.s32 $_scs_section_size  }
0x9a: {  	s5 =	simm.s32 $_size__tile_overlayer_lowered;
	s6 =	simm.s32 $_tile_overlayer_lowered  }
0x9b: {  	s22 =	simm.s32 $0x1BFF;
	s21 =	sshll.u32 s6, $0x1;
	s3 =	sadd.s32 s4, s19  }
0x9c: {  	s7 =	simm.s32 $0x0;
	s20 =	sshll.u32 s5, $0x1;
	s5 =	sadd.s32 s21, s3  }
0x9d: {  	[timem:s7], [sflag:s22] =	dma.local [hbm:s5], s20  }
0x9e: {  	_ =	swait.ge [sflag:s22], s20  }
0x9f: {  	s4 =	ssub.s32 $0x0, s20;
	[sflag:s22] =	ssyncset.done $0x0  }
0xa0: {  	[sflag:s22] =	ssyncadd.s32 s4;
	_ =	sdelay $0x1  }
0xa1: {  	s23 =	simm.s32 $0x1B8B  }
0xa2: {  	_ =	swait.ge [sflag:s23], $0x1  }
0xa3: {  	[sflag:s23] =	ssyncset.done $0x0  }
0xa4: {  	s25 =	simm.s32 $0x1B8E;
	s24 =	sld [smem:$0x3FFE];
	[sflag:s23] =	ssyncadd.s32 $0xFFFFFFFF  }
0xa5: {  	s26 =	simm.s32 $execute0_lowered;
	[smem:$0x3FD2] =	sst s25  }
0xa6: {  	s5 =	sshll.u32 s26, $0x1;
	_ =	strace $0x80000049;
	[dreg:$0x1] =	wrdreg $0xFFFFFFFF  }
0xa7: {  	s28 =	simm.s32 $_size_execute0_lowered;
	s3 =	sadd.s32 s3, s5;
	[dreg:$0x0] =	wrdreg $0x0  }
0xa8: {  	s5 =	sshll.u32 s28, $0x1;
	[dreg:$0x2] =	wrdreg s3  }
0xa9: {  	[dreg:$0x3] =	wrdreg s5  }
0xaa: {  	[dreg:$0x4] =	wrdreg $0xC0  }
0xab: {  	_ =	task [dreg:s7], $0x5FFFF  }
0xac: {  	[dreg:$0x1] =	wrdreg $0xFFFFFFFF  }
0xad: {  	[dreg:$0x0] =	wrdreg $0x60  }
0xae: {  	[dreg:$0x2] =	wrdreg s24  }
0xaf: {  	[dreg:$0x3] =	wrdreg s2  }
0xb0: {  	[dreg:$0x4] =	wrdreg $0x28000  }
0xb1: {  	[dreg:$0x5] =	wrdreg $0x9  }
0xb2: {  	_ =	task.clear_ibuf [dreg:s7], $0x6FFFF;
	_ =	strace $0x90000049  }
0xb3: {  	s29 =	simm.s32 $0x9;
	_ =	strace $0x8000004B  }
0xb4: {  	_ =	swait.ge [sflag:s29], $0x1  }
0xb5: {  	[sflag:s29] =	ssyncadd.s32 $0xFFFFFFFF  }
0xb6: {  	_ =	strace $0x9000004B  }
0xb7: {  	_ =	sfence  }
0xb8: {  	s30 =	sld [smem:$0x0];
	_ =	sdelay $0x2  }
0xb9: {  	s31 =	sshll.u32 s1, $0xD;
	s1 =	sshrl.u32 s1, $0x2  }
0xba: {  	s3 =	sand.u32 $0x4000, s31;
	s1 =	sadd.s32 s1, s30  }
0xbb: {  	s0 =	sor.u32 s3, s0;
	s1 =	sshll.u32 s1, $0x11  }
0xbc: {  	s0 =	sor.u32 s1, s0  }
0xbd: {  	s0 =	sadd.s32 $0x8F2B, s0  }
0xbe: {  	[sflag:s0] =	ssyncadd.remote.s32 $0x1  }
0xbf: {  	_ =	sfence.sel $0xFFFF  }
0xc0: {  	[dreg:$0x0] =	wrdreg $0xFFFFFFFF;
	(pc) =	sbr.abs _section_cstart, $3  }
0xc1: {  	[dreg:$0x1] =	wrdreg $0xFFFFFFFF  }
0xc2: {  	_ =	task.clear_ibuf [dreg:s7], $0x2FFFF;
	_ =	strace $0x9FFFFFFF  }
0xc3: {  	(tm) =	ssettm $0x7FFFFFFF  }
tec
execute0_lowered:
.L_overlay_start_1:
0x0: {  	(tag) =	ssettag $0x1  }
0x1: {  	s0 =	rddreg [dreg:$0x0]  }
0x2: {  	s8 =	rddreg [dreg:$0x1]  }
0x3: {  	s1 =	rddreg [dreg:$0x2];
	s2 =	srdreg.scid  }
0x4: {  	s3 =	simm.s32 $0x0;
	s25 =	stileid.u32;
	s21 =	simm.s32 $0x16800  }
0x5: {  	s22 =	simm.s32 $0x3;
	s23 =	simm.s32 $0x1400;
	s24 =	simm.s32 $0x80  }
0x6: {  	s28 =	simm.s32 $0x2;
	s29 =	simm.s32 $0x2700;
	s30 =	simm.s32 $0x2780  }
0x7: {  	s5 =	sand.u32 $0x1, s2;
	[smem:$0x7FF] =	sst s3;
	s7 =	smul.u32 $0x14000, s25  }
0x8: {  	s4 =	sadd.s32 $0xB600, s0;
	s26 =	smul.u32 $0x50000, s25;
	s11 =	sadd.s32 $0x1600, s0  }
0x9: {  	s6 =	smul.u32 $0x140000, s5;
	s9 =	sshll.u32 s5, $0x4;
	s5 =	ssub.s32 $0x2, s5  }
0xa: {  	_ =	strace $0x8000004A;
	s9 =	sor.u32 s25, s9;
	s31 =	sshrl.u32 s5, $0x1  }
0xb: {  	s25 =	simm.s32 $0x1A800;
	s6 =	sadd.s32 s7, s6;
	s10 =	smul.u32 $0x2800, s9  }
0xc: {  	s7 =	sshrl.u32 s26, $0x2;
	s9 =	smul.u32 $0x500, s9;
	s12 =	ssub.s32 s5, s31  }
0xd: {  	s26 =	simm.s32 $0x1;
	s6 =	sshrl.u32 s6, $0x3;
	s5 =	sadd.s32 s7, s1  }
0xe: {  	s0 =	sadd.s32 s6, s0;
	s10 =	sshrl.u32 s10, $0x3;
	s6 =	sadd.s32 s8, s9  }
0xf: {  	s7 =	sadd.s32 s11, s9;
	s13 =	sadd.s32 $0x4000, s5;
	s14 =	sadd.s32 $0x6000, s5  }
0x10: {  	s15 =	sadd.s32 $0x8000, s5;
	s16 =	sadd.s32 $0xA000, s5;
	s17 =	sadd.s32 $0xC000, s5  }
0x11: {  	s18 =	sadd.s32 $0xE000, s5;
	s19 =	sadd.s32 $0x10000, s5;
	s10 =	sadd.s32 $0x280, s10  }
0x12: {  	s20 =	sadd.s32 $0x12000, s5;
	s8 =	sadd.s32 s8, s10;
	s9 =	sadd.s32 s11, s10  }
0x13: {  	v0 =	vimm.f32 $0.0e+00;
	s10 =	sadd.s32 $0x33600, s0;
	s11 =	smax.u32 s12, $0x1;
	s12 =	sadd.s32 $0x2000, s5  }
.LBB2_1:
0x14: {  	s31 =	simm.s32 $0x0;
	s0 =	simm.s32 $0x200  }
.LBB2_2:
0x15: {  	p0 =	sne.s32 s0, $0x7E00;
	[tilespmem:s31+$0x16870] =	vst v0  }
0x16: {  	[tilespmem:s31+$0x16800] =	vst v0  }
0x17: {  	[tilespmem:s31+$0x16810] =	vst v0  }
.Ltmp0:
0x18: {  	[tilespmem:s31+$0x16820] =	vst v0;
	(pc) =	sbr.rel @p0 .LBB2_2-.Ltmp0, $4  }
0x19: {  	[tilespmem:s31+$0x16830] =	vst v0  }
0x1a: {  	[tilespmem:s31+$0x16840] =	vst v0  }
0x1b: {  	[tilespmem:s31+$0x16850] =	vst v0  }
0x1c: {  	[tilespmem:s31+$0x16860] =	vst v0;
	s31 =	sshra.s32 s0, $0x2;
	s0 =	sadd.s32 $0x200, s0  }
0x1d: {  	[tilespmem:s31+$0x16870] =	vst v0  }
0x1e: {  	[tilespmem:s31+$0x16800] =	vst v0  }
0x1f: {  	[tilespmem:s31+$0x16810] =	vst v0  }
0x20: {  	[tilespmem:s31+$0x16820] =	vst v0  }
0x21: {  	[tilespmem:s31+$0x16830] =	vst v0  }
0x22: {  	[tilespmem:s31+$0x16840] =	vst v0  }
0x23: {  	[tilespmem:s31+$0x16850] =	vst v0  }
0x24: {  	[tilespmem:s31+$0x16860] =	vst v0  }
0x25: {  	[spmem:s5] =	stream.linear.scatter [tilespmem:s21], [sflag:$0x3], $0x2000, $0x38;
	[tilespmem:$0x1E800] =	vst v63  }
0x26: {  	_ =	swait.ge [sflag:s22], $0x2000  }
0x27: {  	[sflag:s22] =	ssyncset.done $0x0  }
0x28: {  	[sflag:s22] =	ssyncadd.s32 $0xFFFFE000  }
0x29: {  	[spmem:s12] =	stream.linear.scatter [tilespmem:s21], [sflag:$0x3], $0x2000, $0x38;
	[tilespmem:$0x1E800] =	vst v63  }
0x2a: {  	_ =	swait.ge [sflag:s22], $0x2000  }
0x2b: {  	[sflag:s22] =	ssyncset.done $0x0  }
0x2c: {  	[sflag:s22] =	ssyncadd.s32 $0xFFFFE000  }
0x2d: {  	[spmem:s13] =	stream.linear.scatter [tilespmem:s21], [sflag:$0x3], $0x2000, $0x38;
	[tilespmem:$0x1E800] =	vst v63  }
0x2e: {  	_ =	swait.ge [sflag:s22], $0x2000  }
0x2f: {  	[sflag:s22] =	ssyncset.done $0x0  }
0x30: {  	[sflag:s22] =	ssyncadd.s32 $0xFFFFE000  }
0x31: {  	[spmem:s14] =	stream.linear.scatter [tilespmem:s21], [sflag:$0x3], $0x2000, $0x38;
	[tilespmem:$0x1E800] =	vst v63  }
0x32: {  	_ =	swait.ge [sflag:s22], $0x2000  }
0x33: {  	[sflag:s22] =	ssyncset.done $0x0  }
0x34: {  	[sflag:s22] =	ssyncadd.s32 $0xFFFFE000  }
0x35: {  	[spmem:s15] =	stream.linear.scatter [tilespmem:s21], [sflag:$0x3], $0x2000, $0x38;
	[tilespmem:$0x1E800] =	vst v63  }
0x36: {  	_ =	swait.ge [sflag:s22], $0x2000  }
0x37: {  	[sflag:s22] =	ssyncset.done $0x0  }
0x38: {  	[sflag:s22] =	ssyncadd.s32 $0xFFFFE000  }
0x39: {  	[spmem:s16] =	stream.linear.scatter [tilespmem:s21], [sflag:$0x3], $0x2000, $0x38;
	[tilespmem:$0x1E800] =	vst v63  }
0x3a: {  	_ =	swait.ge [sflag:s22], $0x2000  }
0x3b: {  	[sflag:s22] =	ssyncset.done $0x0  }
0x3c: {  	[sflag:s22] =	ssyncadd.s32 $0xFFFFE000  }
0x3d: {  	[spmem:s17] =	stream.linear.scatter [tilespmem:s21], [sflag:$0x3], $0x2000, $0x38;
	[tilespmem:$0x1E800] =	vst v63  }
0x3e: {  	_ =	swait.ge [sflag:s22], $0x2000  }
0x3f: {  	[sflag:s22] =	ssyncset.done $0x0  }
0x40: {  	[sflag:s22] =	ssyncadd.s32 $0xFFFFE000  }
0x41: {  	[spmem:s18] =	stream.linear.scatter [tilespmem:s21], [sflag:$0x3], $0x2000, $0x38;
	[tilespmem:$0x1E800] =	vst v63  }
0x42: {  	_ =	swait.ge [sflag:s22], $0x2000  }
0x43: {  	[sflag:s22] =	ssyncset.done $0x0  }
0x44: {  	[sflag:s22] =	ssyncadd.s32 $0xFFFFE000  }
0x45: {  	[spmem:s19] =	stream.linear.scatter [tilespmem:s21], [sflag:$0x3], $0x2000, $0x38;
	[tilespmem:$0x1E800] =	vst v63  }
0x46: {  	_ =	swait.ge [sflag:s22], $0x2000  }
0x47: {  	[sflag:s22] =	ssyncset.done $0x0  }
0x48: {  	[sflag:s22] =	ssyncadd.s32 $0xFFFFE000  }
0x49: {  	[spmem:s20] =	stream.linear.scatter [tilespmem:s21], [sflag:$0x3], $0x2000, $0x38;
	[tilespmem:$0x1E800] =	vst v63  }
0x4a: {  	_ =	swait.ge [sflag:s22], $0x2000  }
0x4b: {  	[sflag:s22] =	ssyncset.done $0x0  }
0x4c: {  	[sflag:s22] =	ssyncadd.s32 $0xFFFFE000  }
0x4d: {  	s0 =	simm.s32 $0x0;
	[bflag:$0x0] =	sbarrier.arrive $0xFFFF  }
0x4e: {  	[tilespmem:s0], [sflag:$0x3] =	stream.linear.gather [hbm4b:s6+s0], $0x1400, $0x38;
	[tilespmem:$0x1E800] =	vst v63  }
0x4f: {  	_ =	swait.ge [sflag:s22], $0x1400  }
0x50: {  	[sflag:s22] =	ssyncset.done $0x0  }
0x51: {  	[sflag:s22] =	ssyncadd.s32 $0xFFFFEC00  }
0x52: {  	[tilespmem:s23], [sflag:$0x3] =	stream.linear.gather [hbm4b:s7+s0], $0x1400, $0x38;
	[tilespmem:$0x1E800] =	vst v63  }
0x53: {  	_ =	swait.ge [sflag:s22], $0x1400  }
0x54: {  	[sflag:s22] =	ssyncset.done $0x0  }
0x55: {  	[sflag:s22] =	ssyncadd.s32 $0xFFFFEC00  }
0x56: {  	[tilespmem:s21], [sflag:$0x1] =	stream.indirect.gather [hbm4b:s4+s24], $0x80, s0, s24, $0xb8;
	[tilespmem:$0x1E800] =	vst v63  }
0x57: {  	_ = 	snop  }
0x58: {  	[tilespmem:s25], [sflag:$0x2] =	stream.indirect.gather [hbm4b:s4+s24], $0x80, s24, s24, $0xb8;
	[tilespmem:$0x1E800] =	vst v63  }
0x59: {  	_ =	swait.ge [sflag:s26], $0x4000  }
0x5a: {  	[sflag:s26] =	ssyncset.done $0x0  }
0x5b: {  	s2 =	simm.s32 $0x1400;
	[sflag:s26] =	ssyncadd.s32 $0xFFFFC000  }
0x5c: {  	[spmem:s1] =	stream.indirect.scatter.add.f32 [tilespmem:s21], [sflag:$0x3], $0x80, s2, s24, $0xb8;
	[tilespmem:$0x1E800] =	vst v63  }
0x5d: {  	_ =	swait.ge [sflag:s22], $0x4000  }
0x5e: {  	[sflag:s22] =	ssyncset.done $0x0  }
0x5f: {  	s2 =	simm.s32 $0x100;
	[sflag:s22] =	ssyncadd.s32 $0xFFFFC000  }
0x60: {  	[tilespmem:s21], [sflag:$0x1] =	stream.indirect.gather [hbm4b:s4+s24], $0x80, s2, s24, $0xb8;
	[tilespmem:$0x1E800] =	vst v63  }
0x61: {  	_ =	swait.ge [sflag:s28], $0x4000  }
0x62: {  	[sflag:s28] =	ssyncset.done $0x0  }
0x63: {  	s2 =	simm.s32 $0x1480;
	[sflag:s28] =	ssyncadd.s32 $0xFFFFC000  }
0x64: {  	[spmem:s1] =	stream.indirect.scatter.add.f32 [tilespmem:s25], [sflag:$0x3], $0x80, s2, s24, $0xb8;
	[tilespmem:$0x1E800] =	vst v63  }
0x65: {  	_ =	swait.ge [sflag:s22], $0x4000  }
0x66: {  	[sflag:s22] =	ssyncset.done $0x0  }
0x67: {  	s31 =	simm.s32 $0x400;
	s0 =	simm.s32 $0x180;
	[sflag:s22] =	ssyncadd.s32 $0xFFFFC000  }
.LBB2_4:
0x68: {  	[tilespmem:s25], [sflag:$0x2] =	stream.indirect.gather [hbm4b:s4+s24], $0x80, s0, s24, $0xb8;
	[tilespmem:$0x1E800] =	vst v63  }
0x69: {  	s0 =	smov.u32 s31  }
0x6a: {  	p0 =	sne.s32 s31, $0x4800;
	s31 =	sadd.s32 $0x400, s31;
	_ =	swait.ge [sflag:s26], $0x4000  }
0x6b: {  	s0 =	sshra.s32 s0, $0x2;
	[sflag:s26] =	ssyncset.done $0x0  }
0x6c: {  	s2 =	sadd.s32 $0x1400, s0;
	[sflag:s26] =	ssyncadd.s32 $0xFFFFC000  }
0x6d: {  	[spmem:s1] =	stream.indirect.scatter.add.f32 [tilespmem:s21], [sflag:$0x3], $0x80, s2, s24, $0xb8;
	[tilespmem:$0x1E800] =	vst v63  }
0x6e: {  	_ =	swait.ge [sflag:s22], $0x4000  }
0x6f: {  	[sflag:s22] =	ssyncset.done $0x0  }
0x70: {  	s2 =	sadd.s32 $0x100, s0;
	[sflag:s22] =	ssyncadd.s32 $0xFFFFC000  }
0x71: {  	[tilespmem:s21], [sflag:$0x1] =	stream.indirect.gather [hbm4b:s4+s24], $0x80, s2, s24, $0xb8;
	[tilespmem:$0x1E800] =	vst v63  }
0x72: {  	_ =	swait.ge [sflag:s28], $0x4000  }
0x73: {  	[sflag:s28] =	ssyncset.done $0x0  }
.Ltmp1:
0x74: {  	s2 =	sadd.s32 $0x1480, s0;
	[sflag:s28] =	ssyncadd.s32 $0xFFFFC000;
	(pc) =	sbr.rel @p0 .LBB2_4-.Ltmp1, $4  }
0x75: {  	[spmem:s1] =	stream.indirect.scatter.add.f32 [tilespmem:s25], [sflag:$0x3], $0x80, s2, s24, $0xb8;
	[tilespmem:$0x1E800] =	vst v63  }
0x76: {  	_ =	swait.ge [sflag:s22], $0x4000  }
0x77: {  	[sflag:s22] =	ssyncset.done $0x0  }
0x78: {  	s0 =	sadd.s32 $0x180, s0;
	[sflag:s22] =	ssyncadd.s32 $0xFFFFC000  }
0x79: {  	[tilespmem:s25], [sflag:$0x2] =	stream.indirect.gather [hbm4b:s4+s24], $0x80, s0, s24, $0xb8;
	[tilespmem:$0x1E800] =	vst v63  }
0x7a: {  	_ =	swait.ge [sflag:s26], $0x4000  }
0x7b: {  	[sflag:s26] =	ssyncset.done $0x0  }
0x7c: {  	[sflag:s26] =	ssyncadd.s32 $0xFFFFC000  }
0x7d: {  	[spmem:s1] =	stream.indirect.scatter.add.f32 [tilespmem:s21], [sflag:$0x3], $0x80, s29, s24, $0xb8;
	[tilespmem:$0x1E800] =	vst v63  }
0x7e: {  	_ =	swait.ge [sflag:s22], $0x4000  }
0x7f: {  	[sflag:s22] =	ssyncset.done $0x0  }
0x80: {  	[sflag:s22] =	ssyncadd.s32 $0xFFFFC000  }
0x81: {  	_ =	swait.ge [sflag:s28], $0x4000  }
0x82: {  	[sflag:s28] =	ssyncset.done $0x0  }
0x83: {  	[sflag:s28] =	ssyncadd.s32 $0xFFFFC000  }
0x84: {  	[spmem:s1] =	stream.indirect.scatter.add.f32 [tilespmem:s25], [sflag:$0x3], $0x80, s30, s24, $0xb8;
	[tilespmem:$0x1E800] =	vst v63  }
0x85: {  	_ =	swait.ge [sflag:s22], $0x4000  }
0x86: {  	[sflag:s22] =	ssyncset.done $0x0  }
0x87: {  	s2 =	simm.s32 $0x0;
	[sflag:s22] =	ssyncadd.s32 $0xFFFFC000  }
0x88: {  	[tilespmem:s2], [sflag:$0x3] =	stream.linear.gather [hbm4b:s8+s2], $0x1400, $0x38;
	[tilespmem:$0x1E800] =	vst v63  }
0x89: {  	_ =	swait.ge [sflag:s22], $0x1400  }
0x8a: {  	[sflag:s22] =	ssyncset.done $0x0  }
0x8b: {  	[sflag:s22] =	ssyncadd.s32 $0xFFFFEC00  }
0x8c: {  	[tilespmem:s23], [sflag:$0x3] =	stream.linear.gather [hbm4b:s9+s2], $0x1400, $0x38;
	[tilespmem:$0x1E800] =	vst v63  }
0x8d: {  	_ =	swait.ge [sflag:s22], $0x1400  }
0x8e: {  	[sflag:s22] =	ssyncset.done $0x0  }
0x8f: {  	[sflag:s22] =	ssyncadd.s32 $0xFFFFEC00  }
0x90: {  	[tilespmem:s21], [sflag:$0x1] =	stream.indirect.gather [hbm4b:s4+s24], $0x80, s2, s24, $0xb8;
	[tilespmem:$0x1E800] =	vst v63  }
0x91: {  	_ = 	snop  }
0x92: {  	[tilespmem:s25], [sflag:$0x2] =	stream.indirect.gather [hbm4b:s4+s24], $0x80, s24, s24, $0xb8;
	[tilespmem:$0x1E800] =	vst v63  }
0x93: {  	_ =	swait.ge [sflag:s26], $0x4000  }
0x94: {  	[sflag:s26] =	ssyncset.done $0x0  }
0x95: {  	s2 =	simm.s32 $0x1400;
	[sflag:s26] =	ssyncadd.s32 $0xFFFFC000  }
0x96: {  	[spmem:s1] =	stream.indirect.scatter.add.f32 [tilespmem:s21], [sflag:$0x3], $0x80, s2, s24, $0xb8;
	[tilespmem:$0x1E800] =	vst v63  }
0x97: {  	_ =	swait.ge [sflag:s22], $0x4000  }
0x98: {  	[sflag:s22] =	ssyncset.done $0x0  }
0x99: {  	s2 =	simm.s32 $0x100;
	[sflag:s22] =	ssyncadd.s32 $0xFFFFC000  }
0x9a: {  	[tilespmem:s21], [sflag:$0x1] =	stream.indirect.gather [hbm4b:s4+s24], $0x80, s2, s24, $0xb8;
	[tilespmem:$0x1E800] =	vst v63  }
0x9b: {  	_ =	swait.ge [sflag:s28], $0x4000  }
0x9c: {  	[sflag:s28] =	ssyncset.done $0x0  }
0x9d: {  	s2 =	simm.s32 $0x1480;
	[sflag:s28] =	ssyncadd.s32 $0xFFFFC000  }
0x9e: {  	[spmem:s1] =	stream.indirect.scatter.add.f32 [tilespmem:s25], [sflag:$0x3], $0x80, s2, s24, $0xb8;
	[tilespmem:$0x1E800] =	vst v63  }
0x9f: {  	_ =	swait.ge [sflag:s22], $0x4000  }
0xa0: {  	[sflag:s22] =	ssyncset.done $0x0  }
0xa1: {  	s31 =	simm.s32 $0x400;
	s0 =	simm.s32 $0x180;
	[sflag:s22] =	ssyncadd.s32 $0xFFFFC000  }
.LBB2_6:
0xa2: {  	[tilespmem:s25], [sflag:$0x2] =	stream.indirect.gather [hbm4b:s4+s24], $0x80, s0, s24, $0xb8;
	[tilespmem:$0x1E800] =	vst v63  }
0xa3: {  	s0 =	smov.u32 s31  }
0xa4: {  	p0 =	sne.s32 s31, $0x4800;
	s31 =	sadd.s32 $0x400, s31;
	_ =	swait.ge [sflag:s26], $0x4000  }
0xa5: {  	s0 =	sshra.s32 s0, $0x2;
	[sflag:s26] =	ssyncset.done $0x0  }
0xa6: {  	s2 =	sadd.s32 $0x1400, s0;
	[sflag:s26] =	ssyncadd.s32 $0xFFFFC000  }
0xa7: {  	[spmem:s1] =	stream.indirect.scatter.add.f32 [tilespmem:s21], [sflag:$0x3], $0x80, s2, s24, $0xb8;
	[tilespmem:$0x1E800] =	vst v63  }
0xa8: {  	_ =	swait.ge [sflag:s22], $0x4000  }
0xa9: {  	[sflag:s22] =	ssyncset.done $0x0  }
0xaa: {  	s2 =	sadd.s32 $0x100, s0;
	[sflag:s22] =	ssyncadd.s32 $0xFFFFC000  }
0xab: {  	[tilespmem:s21], [sflag:$0x1] =	stream.indirect.gather [hbm4b:s4+s24], $0x80, s2, s24, $0xb8;
	[tilespmem:$0x1E800] =	vst v63  }
0xac: {  	_ =	swait.ge [sflag:s28], $0x4000  }
0xad: {  	[sflag:s28] =	ssyncset.done $0x0  }
.Ltmp2:
0xae: {  	s2 =	sadd.s32 $0x1480, s0;
	[sflag:s28] =	ssyncadd.s32 $0xFFFFC000;
	(pc) =	sbr.rel @p0 .LBB2_6-.Ltmp2, $4  }
0xaf: {  	[spmem:s1] =	stream.indirect.scatter.add.f32 [tilespmem:s25], [sflag:$0x3], $0x80, s2, s24, $0xb8;
	[tilespmem:$0x1E800] =	vst v63  }
0xb0: {  	_ =	swait.ge [sflag:s22], $0x4000  }
0xb1: {  	[sflag:s22] =	ssyncset.done $0x0  }
0xb2: {  	s0 =	sadd.s32 $0x180, s0;
	[sflag:s22] =	ssyncadd.s32 $0xFFFFC000  }
0xb3: {  	[tilespmem:s25], [sflag:$0x2] =	stream.indirect.gather [hbm4b:s4+s24], $0x80, s0, s24, $0xb8;
	[tilespmem:$0x1E800] =	vst v63  }
0xb4: {  	_ =	swait.ge [sflag:s26], $0x4000  }
0xb5: {  	[sflag:s26] =	ssyncset.done $0x0  }
0xb6: {  	[sflag:s26] =	ssyncadd.s32 $0xFFFFC000  }
0xb7: {  	[spmem:s1] =	stream.indirect.scatter.add.f32 [tilespmem:s21], [sflag:$0x3], $0x80, s29, s24, $0xb8;
	[tilespmem:$0x1E800] =	vst v63  }
0xb8: {  	_ =	swait.ge [sflag:s22], $0x4000  }
0xb9: {  	[sflag:s22] =	ssyncset.done $0x0  }
0xba: {  	[sflag:s22] =	ssyncadd.s32 $0xFFFFC000  }
0xbb: {  	_ =	swait.ge [sflag:s28], $0x4000  }
0xbc: {  	[sflag:s28] =	ssyncset.done $0x0  }
0xbd: {  	[sflag:s28] =	ssyncadd.s32 $0xFFFFC000  }
0xbe: {  	[spmem:s1] =	stream.indirect.scatter.add.f32 [tilespmem:s25], [sflag:$0x3], $0x80, s30, s24, $0xb8;
	[tilespmem:$0x1E800] =	vst v63  }
0xbf: {  	s31 =	stileid.u32;
	_ =	swait.ge [sflag:s22], $0x4000  }
0xc0: {  	s2 =	sshrl.u32 s5, $0x3;
	s3 =	sadd.s32 $0x1, s3;
	[sflag:s22] =	ssyncset.done $0x0  }
0xc1: {  	s0 =	sshll.u32 s31, $0x6;
	p0 =	sne.s32 s3, s11;
	[sflag:s22] =	ssyncadd.s32 $0xFFFFC000  }
.Ltmp3:
0xc2: {  	s0 =	sor.u32 $0x1C03, s0;
	[bflag:$0x0] =	sbarrier.arrive $0xFFFF;
	(pc) =	sbr.rel @p0 .LBB2_1-.Ltmp3, $4  }
0xc3: {  	[hbm:s10], [sflag:s0] =	dma.local [spmem:s2], $0x2800  }
0xc4: {  	_ =	swait.ge [sflag:s22], $0x2800  }
0xc5: {  	[sflag:s22] =	ssyncset.done $0x0  }
0xc6: {  	[sflag:s22] =	ssyncadd.s32 $0xFFFFD800  }
0xc7: {  	_ =	sfence.sel $0x180000  }
0xc8: {  	[bflag:$0x0] =	sbarrier.arrive $0xFFFF  }
0xc9: {  	_ =	strace $0x9000004A  }
0xca: {  	s0 =	stileid.u32;
	[bflag:$0x2] =	sbarrier.arrive $0xFFFF  }
0xcb: {  	p0 =	sne.s32 s0, $0x0;
	s0 =	rddreg [dreg:$0x3]  }
0xcc: {  	s0 =	sadd.s32 @!p0 $0x100000, s0  }
0xcd: {  	[sflag:s0] =	ssyncadd.tile.s32 @!p0 $0x1;
	_ =	shalt  }
.Lfunc_end2:
_tile_overlayer_lowered:
.L_overlay_start_2:
0xce: {  	(tag) =	ssettag $0x2  }
0xcf: {  	s0 =	rddreg [dreg:$0x0];
	s2 =	stileid.u32  }
0xd0: {  	s1 =	rddreg [dreg:$0x1];
	p0 =	sne.s32 s2, $0x0  }
0xd1: {  	s3 =	rddreg [dreg:$0x2];
	[bflag:$0x3] =	sbarrier.arrive $0xFFFF;
	s2 =	simm.s32 @!p0 $0x1C03  }
0xd2: {  	[timem:s3], [sflag:s2] =	dma.local @!p0 [hbm:s0], s1  }
0xd3: {  	s0 =	simm.s32 @!p0 $0x3  }
0xd4: {  	_ =	swait.ge @!p0 [sflag:s0], s1  }
0xd5: {  	s1 =	ssub.s32 @!p0 $0x0, s1;
	[sflag:s0] =	ssyncset.done @!p0 $0x0  }
0xd6: {  	[sflag:s0] =	ssyncadd.s32 @!p0 s1  }
0xd7: {  	[bflag:$0x3] =	sbarrier.arrive $0xFFFF  }
0xd8: {  	_ =	shalt  }

// kernel: kernel.7.cloned.1.call-start
scs
__scs_entry_jumppad:
0x0: {  	(pc) =	sbr.rel $0x88, $3  }
0x1: {  	(tag) =	ssettag $0x0;
	lr =	simm.s32 $0x1  }
0x2: {  	[smem:$0x3F9D] =	sst lr;
	_ =	strace $0xD0000000  }
0x3: {  	_ = 	snop  }
0x4: {  	_ = 	snop  }
0x5: {  	_ = 	snop  }
0x6: {  	_ = 	snop  }
0x7: {  	_ = 	snop  }
__scs_overlays_trampoline_lowered:
0x8: {  	[smem:$0x3FAC] =	sst s0  }
0x9: {  	[smem:$0x3FAD] =	sst s1  }
0xa: {  	[smem:$0x3FAE] =	sst s2  }
0xb: {  	[smem:$0x3FAF] =	sst s3  }
0xc: {  	[smem:$0x3FB0] =	sst s4  }
0xd: {  	[smem:$0x3FB1] =	sst s5  }
0xe: {  	[smem:$0x3FB2] =	sst s6  }
0xf: {  	[smem:$0x3FB3] =	sst s7  }
0x10: {  	[smem:$0x3FB4] =	sst s8  }
0x11: {  	[smem:$0x3FB5] =	sst s9;
	s0 =	simm.s32 @!p0 $0x0  }
0x12: {  	s1 =	sld [smem:$0x3F9B];
	s0 =	simm.s32 @p0 $0x1  }
0x13: {  	[smem:$0x3FB6] =	sst s0;
	s0 =	simm.s32 @!p1 $0x0  }
0x14: {  	s2 =	sld [smem:$0x3F9A];
	s0 =	simm.s32 @p1 $0x1  }
0x15: {  	[smem:$0x3FB7] =	sst s0;
	s0 =	simm.s32 @!p2 $0x0  }
0x16: {  	s3 =	sld [smem:$0x3FDB];
	s0 =	simm.s32 @p2 $0x1  }
0x17: {  	s4 =	simm.s32 $0x1BF5;
	[smem:$0x3FB9] =	sst s0  }
0x18: {  	s0 =	sld [smem:$0x3F9C];
	_ =	swait.ge [sflag:s4], $0x0  }
0x19: {  	s7 =	sld [smem:$0x3F9D]  }
0x1a: {  	s8 =	sadd.s32 $0xFFFFE003, lr  }
0x1b: {  	s9 =	sadd.s32 $0xFFFFFEF7, lr;
	s5 =	simm.s32 $0xFFFFFFFF;
	p2 =	slt.u32 s8, $0xFFFFF086  }
0x1c: {  	p1 =	slt.u32 s9, $0xF7A;
	s5 =	simm.s32 @!p2 $0x0  }
0x1d: {  	s5 =	simm.s32 @p1 $0x1;
	p0 =	seq.s32 s7, s2  }
0x1e: {  	s7 =	smul.u32 @!p0 $0xF7A, s2;
	p2 =	seq.s32 @!p0 s5, $0x0  }
0x1f: {  	s9 =	smul.u32 $0xF7A, s1;
	s8 =	simm.s32 @!p0 $0x1BF5;
	p2 =	por !p2, p0  }
0x20: {  	[sflag:s8] =	ssyncset.s32 @!p0 $0xFFFFF086;
	s6 =	sadd.s32 @!p0 s3, s7;
	s7 =	simm.s32 @!p0 $0x108  }
0x21: {  	s3 =	sadd.s32 s3, s9;
	s6 =	sadd.s32 @!p0 $0x88, s6;
	s7 =	simm.s32 @p2 $0x1082  }
0x22: {  	[simem:s7], [sflag:s8] =	dma.local @!p0 [hbm:s6], $0xF7A  }
0x23: {  	s9 =	sor.u32 $0xD0000000, s2;
	s6 =	simm.s32 $0x108;
	_ =	swait.ge @!p0 [sflag:s8], $0x0  }
0x24: {  	s3 =	sadd.s32 $0x88, s3;
	s6 =	simm.s32 @!p1 $0x1082;
	[sflag:s4] =	ssyncset.s32 $0xFFFFF086  }
0x25: {  	[simem:s6], [sflag:s4] =	dma.local [hbm:s3], $0xF7A  }
0x26: {  	[smem:$0x3F9D] =	sst s1;
	(tag) =	ssettag s2;
	_ =	strace s9  }
0x27: {  	s1 =	sld [smem:$0x3FAD]  }
0x28: {  	s2 =	sld [smem:$0x3FAE]  }
0x29: {  	s4 =	sld [smem:$0x3FB0]  }
0x2a: {  	p0 =	seq.s32 s5, $0x0;
	s5 =	sld [smem:$0x3FB1]  }
0x2b: {  	s6 =	sld [smem:$0x3FB2]  }
0x2c: {  	s7 =	sld [smem:$0x3FB3]  }
0x2d: {  	s3 =	simm.s32 $0x108;
	s8 =	sld [smem:$0x3FB4]  }
0x2e: {  	s3 =	simm.s32 @!p0 $0x1082;
	s9 =	sld [smem:$0x3FB5]  }
0x2f: {  	lr =	sadd.s32 s0, s3;
	s0 =	sld [smem:$0x3FAC]  }
0x30: {  	s3 =	sld [smem:$0x3FAF]  }
0x31: {  	[smem:$0x3FB8] =	sst s10  }
0x32: {  	s10 =	sld [smem:$0x3FB6];
	_ =	sdelay $0x3  }
0x33: {  	p0 =	seq.s32 s10, $0x1;
	s10 =	sld [smem:$0x3FB8];
	_ =	sdelay $0x3  }
0x34: {  	[smem:$0x3FB8] =	sst s10  }
0x35: {  	s10 =	sld [smem:$0x3FB7];
	_ =	sdelay $0x3  }
0x36: {  	p1 =	seq.s32 s10, $0x1;
	s10 =	sld [smem:$0x3FB8];
	_ =	sdelay $0x3  }
0x37: {  	[smem:$0x3FB8] =	sst s10  }
0x38: {  	s10 =	sld [smem:$0x3FB9]  }
0x39: {  	_ = 	snop;
	(pc) =	sbr.ind lr, $3  }
0x3a: {  	_ = 	snop  }
0x3b: {  	_ = 	snop  }
0x3c: {  	p2 =	seq.s32 s10, $0x1;
	s10 =	sld [smem:$0x3FB8]  }
0x3d: {  	_ =	shalt  }
0x3e: {  	_ =	shalt  }
0x3f: {  	_ =	shalt  }
0x40: {  	_ =	shalt  }
0x41: {  	_ =	shalt  }
0x42: {  	_ =	shalt  }
0x43: {  	_ =	shalt  }
0x44: {  	_ =	shalt  }
0x45: {  	_ =	shalt  }
0x46: {  	_ =	shalt  }
0x47: {  	_ =	shalt  }
0x48: {  	_ =	shalt  }
0x49: {  	_ =	shalt  }
0x4a: {  	_ =	shalt  }
0x4b: {  	_ =	shalt  }
0x4c: {  	_ =	shalt  }
0x4d: {  	_ =	shalt  }
0x4e: {  	_ =	shalt  }
0x4f: {  	_ =	shalt  }
0x50: {  	_ =	shalt  }
0x51: {  	_ =	shalt  }
0x52: {  	_ =	shalt  }
0x53: {  	_ =	shalt  }
0x54: {  	_ =	shalt  }
0x55: {  	_ =	shalt  }
0x56: {  	_ =	shalt  }
0x57: {  	_ =	shalt  }
0x58: {  	_ =	shalt  }
0x59: {  	_ =	shalt  }
0x5a: {  	_ =	shalt  }
0x5b: {  	_ =	shalt  }
0x5c: {  	_ =	shalt  }
0x5d: {  	_ =	shalt  }
0x5e: {  	_ =	shalt  }
0x5f: {  	_ =	shalt  }
0x60: {  	_ =	shalt  }
0x61: {  	_ =	shalt  }
0x62: {  	_ =	shalt  }
0x63: {  	_ =	shalt  }
0x64: {  	_ =	shalt  }
0x65: {  	_ =	shalt  }
0x66: {  	_ =	shalt  }
0x67: {  	_ =	shalt  }
0x68: {  	_ =	shalt  }
0x69: {  	_ =	shalt  }
0x6a: {  	_ =	shalt  }
0x6b: {  	_ =	shalt  }
0x6c: {  	_ =	shalt  }
0x6d: {  	_ =	shalt  }
0x6e: {  	_ =	shalt  }
0x6f: {  	_ =	shalt  }
0x70: {  	_ =	shalt  }
0x71: {  	_ =	shalt  }
0x72: {  	_ =	shalt  }
0x73: {  	_ =	shalt  }
0x74: {  	_ =	shalt  }
0x75: {  	_ =	shalt  }
0x76: {  	_ =	shalt  }
0x77: {  	_ =	shalt  }
0x78: {  	_ =	shalt  }
0x79: {  	_ =	shalt  }
0x7a: {  	_ =	shalt  }
0x7b: {  	_ =	shalt  }
0x7c: {  	_ =	shalt  }
0x7d: {  	_ =	shalt  }
0x7e: {  	_ =	shalt  }
0x7f: {  	_ =	shalt  }
0x80: {  	_ =	shalt  }
0x81: {  	_ =	shalt  }
0x82: {  	_ =	shalt  }
0x83: {  	_ =	shalt  }
0x84: {  	_ =	shalt  }
0x85: {  	_ =	shalt  }
0x86: {  	_ =	shalt  }
0x87: {  	_ =	shalt  }
.Lfunc_end0:
.L_simem_size_0:
called_computation_lowered:
.L_overlay_start_0:
0x88: {  	s2 =	sld [smem:$0x3FD9]  }
0x89: {  	s3 =	sld [smem:$0x3FFE];
	_ =	sdelay $0x1  }
0x8a: {  	s1 =	srdreg.scid  }
0x8b: {  	s0 =	sand.u32 $0x1, s1  }
0x8c: {  	s16 =	sshll.u32 s0, $0xA;
	s2 =	sadd.s32 s3, s2  }
0x8d: {  	s2 =	sadd.s32 s2, s16  }
0x8e: {  	[smem:$0x3FC4] =	sst s2  }
0x8f: {  	_ = 	snop  }
0x90: {  	(tm) =	ssettm $0x1  }
0x91: {  	s17 =	sld [smem:$0x3FFB];
	_ =	sdelay $0x3  }
0x92: {  	_ =	strace s17  }
0x93: {  	s2 =	sld [smem:$0x3FFC];
	_ =	sdelay $0x3  }
0x94: {  	_ =	strace s2  }
0x95: {  	s2 =	sld [smem:$0x3FFD];
	_ =	sdelay $0x3  }
0x96: {  	_ =	strace s2  }
0x97: {  	_ =	strace $0x8FFFFFFF  }
0x98: {  	s18 =	sld [smem:$0x3FDB];
	_ =	sdelay $0x1  }
0x99: {  	s19 =	simm.s32 $_scs_section_size  }
0x9a: {  	s4 =	simm.s32 $_size__tile_overlayer_lowered;
	s5 =	simm.s32 $_tile_overlayer_lowered  }
0x9b: {  	s22 =	simm.s32 $0x1BFF;
	s21 =	sshll.u32 s5, $0x1;
	s2 =	sadd.s32 s19, s18  }
0x9c: {  	s6 =	simm.s32 $0x0;
	s20 =	sshll.u32 s4, $0x1;
	s4 =	sadd.s32 s21, s2  }
0x9d: {  	[timem:s6], [sflag:s22] =	dma.local [hbm:s4], s20  }
0x9e: {  	_ =	swait.ge [sflag:s22], s20  }
0x9f: {  	s3 =	ssub.s32 $0x0, s20;
	[sflag:s22] =	ssyncset.done $0x0  }
0xa0: {  	[sflag:s22] =	ssyncadd.s32 s3;
	_ =	sdelay $0x1  }
0xa1: {  	s23 =	simm.s32 $0x1B8B  }
0xa2: {  	_ =	swait.ge [sflag:s23], $0x1  }
0xa3: {  	[sflag:s23] =	ssyncset.done $0x0  }
0xa4: {  	s25 =	simm.s32 $0x1B8E;
	s24 =	sld [smem:$0x3FFE];
	[sflag:s23] =	ssyncadd.s32 $0xFFFFFFFF  }
0xa5: {  	s26 =	simm.s32 $execute0_lowered;
	[smem:$0x3FD2] =	sst s25  }
0xa6: {  	s4 =	sshll.u32 s26, $0x1;
	_ =	strace $0x80000046;
	[dreg:$0x1] =	wrdreg $0xFFFFFFFF  }
0xa7: {  	s28 =	simm.s32 $_size_execute0_lowered;
	s2 =	sadd.s32 s2, s4;
	[dreg:$0x0] =	wrdreg $0x0  }
0xa8: {  	s4 =	sshll.u32 s28, $0x1;
	[dreg:$0x2] =	wrdreg s2  }
0xa9: {  	[dreg:$0x3] =	wrdreg s4  }
0xaa: {  	[dreg:$0x4] =	wrdreg $0xC0  }
0xab: {  	_ =	task [dreg:s6], $0x5FFFF  }
0xac: {  	[dreg:$0x1] =	wrdreg $0xFFFFFFFF  }
0xad: {  	[dreg:$0x0] =	wrdreg $0x60  }
0xae: {  	[dreg:$0x2] =	wrdreg s24  }
0xaf: {  	[dreg:$0x3] =	wrdreg $0x2B000  }
0xb0: {  	[dreg:$0x4] =	wrdreg $0x9  }
0xb1: {  	_ =	task.clear_ibuf [dreg:s6], $0x5FFFF;
	_ =	strace $0x90000046  }
0xb2: {  	s29 =	simm.s32 $0x9;
	_ =	strace $0x80000048  }
0xb3: {  	_ =	swait.ge [sflag:s29], $0x1  }
0xb4: {  	[sflag:s29] =	ssyncadd.s32 $0xFFFFFFFF  }
0xb5: {  	_ =	strace $0x90000048  }
0xb6: {  	_ =	sfence  }
0xb7: {  	s30 =	sld [smem:$0x0];
	_ =	sdelay $0x2  }
0xb8: {  	s31 =	sshll.u32 s1, $0xD;
	s1 =	sshrl.u32 s1, $0x2  }
0xb9: {  	s3 =	sand.u32 $0x4000, s31;
	s1 =	sadd.s32 s1, s30  }
0xba: {  	s0 =	sor.u32 s3, s0;
	s1 =	sshll.u32 s1, $0x11  }
0xbb: {  	s0 =	sor.u32 s1, s0  }
0xbc: {  	s0 =	sadd.s32 $0x8F2B, s0  }
0xbd: {  	[sflag:s0] =	ssyncadd.remote.s32 $0x1  }
0xbe: {  	_ =	sfence.sel $0xFFFF  }
0xbf: {  	[dreg:$0x0] =	wrdreg $0xFFFFFFFF;
	(pc) =	sbr.abs _section_cstart, $3  }
0xc0: {  	[dreg:$0x1] =	wrdreg $0xFFFFFFFF  }
0xc1: {  	_ =	task.clear_ibuf [dreg:s6], $0x2FFFF;
	_ =	strace $0x9FFFFFFF  }
0xc2: {  	(tm) =	ssettm $0x7FFFFFFF  }
0xc3: {  	_ =	shalt  }
tec
execute0_lowered:
.L_overlay_start_1:
0x0: {  	(tag) =	ssettag $0x1  }
0x1: {  	s4 =	rddreg [dreg:$0x0]  }
0x2: {  	s1 =	rddreg [dreg:$0x1]  }
0x3: {  	s2 =	srdreg.scid;
	s0 =	rddreg [dreg:$0x2];
	s3 =	simm.s32 $0x0  }
0x4: {  	s10 =	simm.s32 $0x80;
	s11 =	simm.s32 $0x2800;
	s12 =	simm.s32 $0x1  }
0x5: {  	s15 =	simm.s32 $0x20;
	s16 =	simm.s32 $0x10;
	s17 =	simm.s32 $0x0  }
0x6: {  	s5 =	sand.u32 $0x1, s2;
	s2 =	stileid.u32;
	[smem:$0x7FF] =	sst s3  }
0x7: {  	s6 =	sshll.u32 s5, $0x4;
	s7 =	smul.u32 $0x500, s2;
	_ =	strace $0x80000047  }
0x8: {  	s8 =	sshll.u32 s5, $0x7;
	s5 =	ssub.s32 $0x2, s5;
	s30 =	smul.u32 $0xA00, s2  }
0x9: {  	s13 =	sshll.u32 s2, $0x6;
	s6 =	sor.u32 s2, s6;
	s9 =	sshrl.u32 s5, $0x1  }
0xa: {  	s13 =	sor.u32 $0x1C02, s13;
	s6 =	smul.u32 $0x500, s6;
	s7 =	sor.u32 s8, s7  }
0xb: {  	s9 =	ssub.s32 s5, s9;
	s31 =	sshrl.u32 s30, $0x2;
	s8 =	simm.s32 $0x2  }
0xc: {  	s7 =	sshrl.u32 s7, $0x3;
	s5 =	sadd.s32 s31, s1;
	s6 =	sadd.s32 s6, s4  }
0xd: {  	s7 =	sadd.s32 s7, s4;
	s14 =	sshrl.u32 s5, $0x3;
	s4 =	sadd.s32 $0x1600, s6  }
0xe: {  	v0 =	vimm.f32 $1.000000000e+00;
	v1 =	vimm.f32 $0.0e+00;
	s6 =	sadd.s32 $0xB600, s7;
	s7 =	smax.u32 s9, $0x1;
	s9 =	simm.s32 $0x2880  }
.LBB2_1:
0xf: {  	[tilespmem:s3], [sflag:$0x2] =	stream.linear.gather [hbm4b:s4+s3], $0x2800, $0x38;
	[tilespmem:$0x2D80] =	vst v63  }
0x10: {  	_ =	swait.ge [sflag:s8], $0x2800  }
0x11: {  	[sflag:s8] =	ssyncset.done $0x0  }
0x12: {  	[sflag:s8] =	ssyncadd.s32 $0xFFFFD800  }
0x13: {  	[tilespmem:$0x2800] =	vst v0  }
0x14: {  	[tilespmem:$0x2810] =	vst v0  }
0x15: {  	[tilespmem:$0x2820] =	vst v0  }
0x16: {  	[tilespmem:$0x2830] =	vst v0  }
0x17: {  	[tilespmem:$0x2840] =	vst v0  }
0x18: {  	[tilespmem:$0x2850] =	vst v0  }
0x19: {  	[tilespmem:$0x2860] =	vst v0  }
0x1a: {  	[tilespmem:$0x2870] =	vst v0  }
0x1b: {  	[tilespmem:$0x2880] =	vst v1  }
0x1c: {  	[tilespmem:$0x2890] =	vst v1  }
0x1d: {  	[tilespmem:$0x28A0] =	vst v1  }
0x1e: {  	[tilespmem:$0x28B0] =	vst v1  }
0x1f: {  	[tilespmem:$0x28C0] =	vst v1  }
0x20: {  	[tilespmem:$0x28D0] =	vst v1  }
0x21: {  	[tilespmem:$0x28E0] =	vst v1  }
0x22: {  	[tilespmem:$0x28F0] =	vst v1  }
0x23: {  	[tilespmem:$0x2900] =	vst v1  }
0x24: {  	[tilespmem:$0x2910] =	vst v1  }
0x25: {  	[tilespmem:$0x2920] =	vst v1  }
0x26: {  	[tilespmem:$0x2930] =	vst v1  }
0x27: {  	[tilespmem:$0x2940] =	vst v1  }
0x28: {  	[tilespmem:$0x2950] =	vst v1  }
0x29: {  	[tilespmem:$0x2960] =	vst v1  }
0x2a: {  	[tilespmem:$0x2970] =	vst v1  }
0x2b: {  	[tilespmem:$0x2980] =	vst v1  }
0x2c: {  	[tilespmem:$0x2990] =	vst v1  }
0x2d: {  	[tilespmem:$0x29A0] =	vst v1  }
0x2e: {  	[tilespmem:$0x29B0] =	vst v1  }
0x2f: {  	[tilespmem:$0x29C0] =	vst v1  }
0x30: {  	[tilespmem:$0x29D0] =	vst v1  }
0x31: {  	[tilespmem:$0x29E0] =	vst v1  }
0x32: {  	[tilespmem:$0x29F0] =	vst v1  }
0x33: {  	[tilespmem:$0x2A00] =	vst v1  }
0x34: {  	[tilespmem:$0x2A10] =	vst v1  }
0x35: {  	[tilespmem:$0x2A20] =	vst v1  }
0x36: {  	[tilespmem:$0x2A30] =	vst v1  }
0x37: {  	[tilespmem:$0x2A40] =	vst v1  }
0x38: {  	[tilespmem:$0x2A50] =	vst v1  }
0x39: {  	[tilespmem:$0x2A60] =	vst v1  }
0x3a: {  	[tilespmem:$0x2A70] =	vst v1  }
0x3b: {  	[tilespmem:$0x2A80] =	vst v1  }
0x3c: {  	[tilespmem:$0x2A90] =	vst v1  }
0x3d: {  	[tilespmem:$0x2AA0] =	vst v1  }
0x3e: {  	[tilespmem:$0x2AB0] =	vst v1  }
0x3f: {  	[tilespmem:$0x2AC0] =	vst v1  }
0x40: {  	[tilespmem:$0x2AD0] =	vst v1  }
0x41: {  	[tilespmem:$0x2AE0] =	vst v1  }
0x42: {  	[tilespmem:$0x2AF0] =	vst v1  }
0x43: {  	[spmem:s5] =	stream.linear.scatter [tilespmem:s9], [sflag:$0x2], $0x280, $0x38;
	[tilespmem:$0x2D80] =	vst v63  }
0x44: {  	_ =	swait.ge [sflag:s8], $0x280  }
0x45: {  	[sflag:s8] =	ssyncset.done $0x0  }
0x46: {  	[sflag:s8] =	ssyncadd.s32 $0xFFFFFD80  }
0x47: {  	s18 =	simm.s32 $0x0;
	[bflag:$0x0] =	sbarrier.arrive $0xFFFF  }
.LBB2_2:
0x48: {  	p0 =	sne.s32 s18, $0x9E00  }
.Ltmp0:
0x49: {  	_ = 	snop;
	(pc) =	sbr.rel @p0 .LBB2_2-.Ltmp0, $3  }
0x4a: {  	_ =	sdelay $0x1  }
0x4b: {  	s19 =	sshra.s32 s18, $0x2;
	s18 =	sadd.s32 $0x200, s18  }
0x4c: {  	[spmem:s1] =	stream.indirect.scatter.add.f32 [tilespmem:s11], [sflag:$0x1], $0x1, s19, s10, $0xb8;
	[tilespmem:$0x2D80] =	vst v63  }
0x4d: {  	_ =	swait.ge [sflag:s12], $0x80  }
0x4e: {  	s18 =	simm.s32 $0x4F;
	[sflag:s12] =	ssyncset.done $0x0  }
.LBB2_4:
0x4f: {  	p0 =	sne.s32 s18, $0x1;
	s18 =	sadd.s32 $0xFFFFFFFF, s18;
	[sflag:s12] =	ssyncadd.s32 $0xFFFFFF80  }
.Ltmp1:
0x50: {  	(pc) =	sbr.rel @p0 .LBB2_4-.Ltmp1, $3  }
0x51: {  	_ =	sdelay $0x1  }
0x52: {  	_ =	swait.ge [sflag:s12], $0x80  }
0x53: {  	[sflag:s12] =	ssyncset.done $0x0  }
0x54: {  	s17 =	sadd.s32 $0x1, s17  }
0x55: {  	[sflag:s12] =	ssyncadd.s32 $0xFFFFFF80;
	p0 =	sne.s32 s17, s7  }
.Ltmp2:
0x56: {  	[bflag:$0x0] =	sbarrier.arrive $0xFFFF;
	(pc) =	sbr.rel @p0 .LBB2_1-.Ltmp2, $4  }
0x57: {  	[hbm:s6@s15], [sflag:s13] =	dma.strided [spmem:s14@s16], $0x50, s12, $0x10   }
0x58: {  	_ =	swait.ge [sflag:s8], $0x50  }
0x59: {  	[sflag:s8] =	ssyncset.done $0x0  }
0x5a: {  	[sflag:s8] =	ssyncadd.s32 $0xFFFFFFB0  }
0x5b: {  	_ =	sfence.sel $0x180000  }
0x5c: {  	[bflag:$0x0] =	sbarrier.arrive $0xFFFF  }
0x5d: {  	p0 =	sne.s32 s2, $0x0;
	_ =	strace $0x90000047  }
0x5e: {  	s0 =	sadd.s32 @!p0 $0x100000, s0;
	[bflag:$0x2] =	sbarrier.arrive $0xFFFF  }
0x5f: {  	[sflag:s0] =	ssyncadd.tile.s32 @!p0 $0x1;
	_ =	shalt  }
.Lfunc_end2:
_tile_overlayer_lowered:
.L_overlay_start_2:
0x60: {  	(tag) =	ssettag $0x2  }
0x61: {  	s0 =	rddreg [dreg:$0x0];
	s2 =	stileid.u32  }
0x62: {  	s1 =	rddreg [dreg:$0x1];
	p0 =	sne.s32 s2, $0x0  }
0x63: {  	s3 =	rddreg [dreg:$0x2];
	[bflag:$0x3] =	sbarrier.arrive $0xFFFF;
	s2 =	simm.s32 @!p0 $0x1C02  }
0x64: {  	[timem:s3], [sflag:s2] =	dma.local @!p0 [hbm:s0], s1  }
0x65: {  	s0 =	simm.s32 @!p0 $0x2  }
0x66: {  	_ =	swait.ge @!p0 [sflag:s0], s1  }
0x67: {  	s1 =	ssub.s32 @!p0 $0x0, s1;
	[sflag:s0] =	ssyncset.done @!p0 $0x0  }
0x68: {  	[sflag:s0] =	ssyncadd.s32 @!p0 s1  }
0x69: {  	[bflag:$0x3] =	sbarrier.arrive $0xFFFF  }
0x6a: {  	_ =	shalt  }

</sc_bundles>
